<compile_context>
chip_gen: v7x
topology: tpu7x:2x2x1
jax: 0.10.2.dev20260603
libtpu: 0.0.44.dev20260713+nightly
codegen_flags: <defaults>
</compile_context>

<pallas_src>
import jax
import jax.numpy as jnp
from jax import lax
from jax.experimental import pallas as pl
from jax.experimental.pallas import tpu as pltpu
from jax.experimental.pallas import tpu_sc as plsc

BATCH = 4096
UNITS = 256
DIM = 64

B_SC = 1280
B_TC = BATCH - B_SC

NC = 2
NS = 16
L = 16
NW = NC * NS
ROWS = B_SC // NW
CHUNKS = UNITS // L

TB = 64


def _sc_tile_body(x_hbm, wt_hbm, out_hbm, x_v, wt_v, out_v):
    wid = lax.axis_index("s") * NC + lax.axis_index("c")
    base = wid * ROWS
    pltpu.sync_copy(x_hbm.at[pl.ds(base, ROWS)], x_v)
    pltpu.sync_copy(wt_hbm, wt_v)

    def row_step(i, carry):
        def d_step(d, accs):
            xd = x_v[i, pl.ds((d // L) * L, L)]
            xb = xd.at[jnp.full((L,), d % L, jnp.int32)].get(
                mode="promise_in_bounds")
            new = []
            for c in range(CHUNKS):
                v = wt_v[d, pl.ds(c * L, L)] + xb
                amax, amin = accs[c]
                new.append((jnp.maximum(amax, v), jnp.minimum(amin, v)))
            return tuple(new)

        init = tuple(
            (jnp.full((L,), -jnp.inf, jnp.float32),
             jnp.full((L,), jnp.inf, jnp.float32))
            for _ in range(CHUNKS))
        accs = lax.fori_loop(0, DIM, d_step, init)
        for c in range(CHUNKS):
            amax, amin = accs[c]
            out_v[i, pl.ds(c * L, L)] = amax - amin
        return carry

    lax.fori_loop(0, ROWS, row_step, 0)
    pltpu.sync_copy(out_v, out_hbm.at[pl.ds(base, ROWS)])


def _sc_part(x, wt):
    mesh = plsc.VectorSubcoreMesh(
        core_axis_name="c", subcore_axis_name="s",
        num_cores=NC, num_subcores=NS)
    f = pl.kernel(
        _sc_tile_body,
        out_type=jax.ShapeDtypeStruct((B_SC, UNITS), jnp.float32),
        mesh=mesh,
        scratch_types=[
            pltpu.VMEM((ROWS, DIM), jnp.float32),
            pltpu.VMEM((DIM, UNITS), jnp.float32),
            pltpu.VMEM((ROWS, UNITS), jnp.float32),
        ],
    )
    return f(x, wt)


def _tc_block_body(x_ref, wt_ref, o_ref):
    amax = jnp.full((TB, UNITS), -jnp.inf, jnp.float32)
    amin = jnp.full((TB, UNITS), jnp.inf, jnp.float32)
    for d in range(DIM):
        v = x_ref[:, d][:, None] + wt_ref[d, :][None, :]
        amax = jnp.maximum(amax, v)
        amin = jnp.minimum(amin, v)
    o_ref[...] = amax - amin


def _tc_part(x, wt):
    off = B_SC // TB
    return pl.pallas_call(
        _tc_block_body,
        grid=(B_TC // TB,),
        in_specs=[
            pl.BlockSpec((TB, DIM), lambda i: (i + off, 0)),
            pl.BlockSpec((DIM, UNITS), lambda i: (0, 0)),
        ],
        out_specs=pl.BlockSpec((TB, UNITS), lambda i: (i, 0)),
        out_shape=jax.ShapeDtypeStruct((B_TC, UNITS), jnp.float32),
    )(x, wt)


def kernel(x, w):
    wt = w.T
    out_sc = _sc_part(x[:B_SC], wt)
    out_tc = _tc_part(x, wt)
    return jnp.concatenate([out_sc, out_tc], axis=0)

# --- scband reference (transcript-rebuilt; emitter-appended) ---
"""Pipeline reference for scband-trop-embed-87978110091944 (READ-ONLY COPY).

The authoritative reference and input builder live on the scoring server;
editing this copy changes nothing except your own understanding.
"""

import jax, jax.numpy as jnp
import numpy as np

UNITS = 256
INPUT_DIM = 64
BATCH = 4096


def setup_inputs(seed: int = 0) -> dict:
    key = jax.random.key(seed)
    k1, k2 = jax.random.split(key)
    x = jax.random.normal(k1, (BATCH, INPUT_DIM), dtype=jnp.float32)
    # learned weight of shape (units, input_dim), random_normal init
    w = jax.random.normal(k2, (UNITS, INPUT_DIM), dtype=jnp.float32) * 0.05
    return {"x": x, "w": w}


def reference(x, w):
    # x: [B, input_dim], w: [units, input_dim]
    units, input_dim = w.shape
    # tf.reshape(x, [-1, 1, input_dim]) then repeat_elements along axis 1
    x_reshaped = jnp.reshape(x, (-1, 1, input_dim))
    x_for_broadcast = jnp.repeat(x_reshaped, units, axis=1)  # [B, units, input_dim]
    # top_k with k=input_dim == full descending sort along last axis
    values, indices = jax.lax.top_k(x_for_broadcast + w[None, :, :], input_dim)
    # tropical symmetric range: max - min per (batch, unit)
    return values[:, :, 0] - values[:, :, -1]

if __name__ == "__main__":
    import jax
    _d = setup_inputs()
    print(jax.jit(kernel)(*tuple(_d.values())))

</pallas_src>

<mosaic_0001>
#map = affine_map<(d0, d1) -> (0, 0)>
module attributes {stable_mosaic.version = 14 : i64} {
  func.func @_sc_tile_body(%arg0: i32, %arg1: i32, %arg2: memref<1280x64xf32, #tpu.memory_space<hbm>>, %arg3: memref<64x256xf32, #tpu.memory_space<hbm>>, %arg4: memref<1280x256xf32, #tpu.memory_space<hbm>>, %arg5: memref<40x64xf32, #tpu.memory_space<vmem>>, %arg6: memref<64x256xf32, #tpu.memory_space<vmem>>, %arg7: memref<40x256xf32, #tpu.memory_space<vmem>>) attributes {dimension_semantics = [#tpu.dimension_semantics<core_parallel>, #tpu.dimension_semantics<subcore_parallel>], iteration_bounds = array<i64: 2, 16>, scalar_prefetch = 0 : i64, scratch_operands = 3 : i64, tpu.core_type = #tpu.core_type<sc_vector_subcore>, window_params = [{transform_indices = #map}, {transform_indices = #map}, {transform_indices = #map}]} {
    %mul3A = arith.constant 2 : i32
    %mul3A_0 = arith.muli %arg1, %mul3A : i32
    %add3A = arith.addi %mul3A_0, %arg0 : i32
    %mul3A_1 = arith.constant 40 : i32
    %mul3A_2 = arith.muli %add3A, %mul3A_1 : i32
    "tpu.region"() ({
      %run_scoped3A = tpu.sem_alloc : memref<!tpu.dma_semaphore, #tpu.memory_space<semaphore_mem>>
      %dma_start3A = arith.constant 0 : i32
      %dma_start3A_8 = tpu.memref_slice %arg2[%mul3A_2, %dma_start3A] : memref<1280x64xf32, #tpu.memory_space<hbm>> -> memref<40x64xf32, #tpu.memory_space<hbm>>
      %dma_start3A_9 = arith.constant 0 : i32
      %dma_start3A_10 = tpu.memref_slice %arg2[%mul3A_2, %dma_start3A_9] : memref<1280x64xf32, #tpu.memory_space<hbm>> -> memref<40x64xf32, #tpu.memory_space<hbm>>
      tpu.enqueue_dma source(%dma_start3A_10 : memref<40x64xf32, #tpu.memory_space<hbm>>) target(%arg5 : memref<40x64xf32, #tpu.memory_space<vmem>>) target_semaphore(%run_scoped3A : memref<!tpu.dma_semaphore, #tpu.memory_space<semaphore_mem>>)
      %dma_wait3A = arith.constant 0 : i32
      %dma_wait3A_11 = tpu.memref_slice %arg2[%mul3A_2, %dma_wait3A] : memref<1280x64xf32, #tpu.memory_space<hbm>> -> memref<40x64xf32, #tpu.memory_space<hbm>>
      %dma_wait3A_12 = arith.constant 0 : i32
      %dma_wait3A_13 = tpu.memref_slice %arg2[%mul3A_2, %dma_wait3A_12] : memref<1280x64xf32, #tpu.memory_space<hbm>> -> memref<40x64xf32, #tpu.memory_space<hbm>>
      tpu.wait_dma2 semaphore(%run_scoped3A : memref<!tpu.dma_semaphore, #tpu.memory_space<semaphore_mem>>) src(%dma_wait3A_13 : memref<40x64xf32, #tpu.memory_space<hbm>>) dst(%arg5 : memref<40x64xf32, #tpu.memory_space<vmem>>)
      tpu.yield
    }) : () -> ()
    "tpu.region"() ({
      %run_scoped3A = tpu.sem_alloc : memref<!tpu.dma_semaphore, #tpu.memory_space<semaphore_mem>>
      tpu.enqueue_dma source(%arg3 : memref<64x256xf32, #tpu.memory_space<hbm>>) target(%arg6 : memref<64x256xf32, #tpu.memory_space<vmem>>) target_semaphore(%run_scoped3A : memref<!tpu.dma_semaphore, #tpu.memory_space<semaphore_mem>>)
      tpu.wait_dma2 semaphore(%run_scoped3A : memref<!tpu.dma_semaphore, #tpu.memory_space<semaphore_mem>>) src(%arg3 : memref<64x256xf32, #tpu.memory_space<hbm>>) dst(%arg6 : memref<64x256xf32, #tpu.memory_space<vmem>>)
      tpu.yield
    }) : () -> ()
    %scan3A = arith.constant 0 : i32
    %scan3A_3 = arith.constant 0 : i32
    %scan3A_4 = arith.constant 40 : i32
    %scan3A_5 = arith.addi %scan3A_3, %scan3A_4 : i32
    %scan3A_6 = arith.constant 1 : i32
    scf.for %scan3A_8 = %scan3A_3 to %scan3A_5 step %scan3A_6  : i32 {
      %broadcast_in_dim3A = arith.constant 0xFF800000 : f32
      %broadcast_in_dim3A_9 = vector.broadcast %broadcast_in_dim3A : f32 to vector<16xf32>
      %broadcast_in_dim3A_10 = arith.constant 0x7F800000 : f32
      %broadcast_in_dim3A_11 = vector.broadcast %broadcast_in_dim3A_10 : f32 to vector<16xf32>
      %broadcast_in_dim3A_12 = arith.constant 0xFF800000 : f32
      %broadcast_in_dim3A_13 = vector.broadcast %broadcast_in_dim3A_12 : f32 to vector<16xf32>
      %broadcast_in_dim3A_14 = arith.constant 0x7F800000 : f32
      %broadcast_in_dim3A_15 = vector.broadcast %broadcast_in_dim3A_14 : f32 to vector<16xf32>
      %broadcast_in_dim3A_16 = arith.constant 0xFF800000 : f32
      %broadcast_in_dim3A_17 = vector.broadcast %broadcast_in_dim3A_16 : f32 to vector<16xf32>
      %broadcast_in_dim3A_18 = arith.constant 0x7F800000 : f32
      %broadcast_in_dim3A_19 = vector.broadcast %broadcast_in_dim3A_18 : f32 to vector<16xf32>
      %broadcast_in_dim3A_20 = arith.constant 0xFF800000 : f32
      %broadcast_in_dim3A_21 = vector.broadcast %broadcast_in_dim3A_20 : f32 to vector<16xf32>
      %broadcast_in_dim3A_22 = arith.constant 0x7F800000 : f32
      %broadcast_in_dim3A_23 = vector.broadcast %broadcast_in_dim3A_22 : f32 to vector<16xf32>
      %broadcast_in_dim3A_24 = arith.constant 0xFF800000 : f32
      %broadcast_in_dim3A_25 = vector.broadcast %broadcast_in_dim3A_24 : f32 to vector<16xf32>
      %broadcast_in_dim3A_26 = arith.constant 0x7F800000 : f32
      %broadcast_in_dim3A_27 = vector.broadcast %broadcast_in_dim3A_26 : f32 to vector<16xf32>
      %broadcast_in_dim3A_28 = arith.constant 0xFF800000 : f32
      %broadcast_in_dim3A_29 = vector.broadcast %broadcast_in_dim3A_28 : f32 to vector<16xf32>
      %broadcast_in_dim3A_30 = arith.constant 0x7F800000 : f32
      %broadcast_in_dim3A_31 = vector.broadcast %broadcast_in_dim3A_30 : f32 to vector<16xf32>
      %broadcast_in_dim3A_32 = arith.constant 0xFF800000 : f32
      %broadcast_in_dim3A_33 = vector.broadcast %broadcast_in_dim3A_32 : f32 to vector<16xf32>
      %broadcast_in_dim3A_34 = arith.constant 0x7F800000 : f32
      %broadcast_in_dim3A_35 = vector.broadcast %broadcast_in_dim3A_34 : f32 to vector<16xf32>
      %broadcast_in_dim3A_36 = arith.constant 0xFF800000 : f32
      %broadcast_in_dim3A_37 = vector.broadcast %broadcast_in_dim3A_36 : f32 to vector<16xf32>
      %broadcast_in_dim3A_38 = arith.constant 0x7F800000 : f32
      %broadcast_in_dim3A_39 = vector.broadcast %broadcast_in_dim3A_38 : f32 to vector<16xf32>
      %broadcast_in_dim3A_40 = arith.constant 0xFF800000 : f32
      %broadcast_in_dim3A_41 = vector.broadcast %broadcast_in_dim3A_40 : f32 to vector<16xf32>
      %broadcast_in_dim3A_42 = arith.constant 0x7F800000 : f32
      %broadcast_in_dim3A_43 = vector.broadcast %broadcast_in_dim3A_42 : f32 to vector<16xf32>
      %broadcast_in_dim3A_44 = arith.constant 0xFF800000 : f32
      %broadcast_in_dim3A_45 = vector.broadcast %broadcast_in_dim3A_44 : f32 to vector<16xf32>
      %broadcast_in_dim3A_46 = arith.constant 0x7F800000 : f32
      %broadcast_in_dim3A_47 = vector.broadcast %broadcast_in_dim3A_46 : f32 to vector<16xf32>
      %broadcast_in_dim3A_48 = arith.constant 0xFF800000 : f32
      %broadcast_in_dim3A_49 = vector.broadcast %broadcast_in_dim3A_48 : f32 to vector<16xf32>
      %broadcast_in_dim3A_50 = arith.constant 0x7F800000 : f32
      %broadcast_in_dim3A_51 = vector.broadcast %broadcast_in_dim3A_50 : f32 to vector<16xf32>
      %broadcast_in_dim3A_52 = arith.constant 0xFF800000 : f32
      %broadcast_in_dim3A_53 = vector.broadcast %broadcast_in_dim3A_52 : f32 to vector<16xf32>
      %broadcast_in_dim3A_54 = arith.constant 0x7F800000 : f32
      %broadcast_in_dim3A_55 = vector.broadcast %broadcast_in_dim3A_54 : f32 to vector<16xf32>
      %broadcast_in_dim3A_56 = arith.constant 0xFF800000 : f32
      %broadcast_in_dim3A_57 = vector.broadcast %broadcast_in_dim3A_56 : f32 to vector<16xf32>
      %broadcast_in_dim3A_58 = arith.constant 0x7F800000 : f32
      %broadcast_in_dim3A_59 = vector.broadcast %broadcast_in_dim3A_58 : f32 to vector<16xf32>
      %broadcast_in_dim3A_60 = arith.constant 0xFF800000 : f32
      %broadcast_in_dim3A_61 = vector.broadcast %broadcast_in_dim3A_60 : f32 to vector<16xf32>
      %broadcast_in_dim3A_62 = arith.constant 0x7F800000 : f32
      %broadcast_in_dim3A_63 = vector.broadcast %broadcast_in_dim3A_62 : f32 to vector<16xf32>
      %broadcast_in_dim3A_64 = arith.constant 0xFF800000 : f32
      %broadcast_in_dim3A_65 = vector.broadcast %broadcast_in_dim3A_64 : f32 to vector<16xf32>
      %broadcast_in_dim3A_66 = arith.constant 0x7F800000 : f32
      %broadcast_in_dim3A_67 = vector.broadcast %broadcast_in_dim3A_66 : f32 to vector<16xf32>
      %broadcast_in_dim3A_68 = arith.constant 0xFF800000 : f32
      %broadcast_in_dim3A_69 = vector.broadcast %broadcast_in_dim3A_68 : f32 to vector<16xf32>
      %broadcast_in_dim3A_70 = arith.constant 0x7F800000 : f32
      %broadcast_in_dim3A_71 = vector.broadcast %broadcast_in_dim3A_70 : f32 to vector<16xf32>
      %scan3A_72 = arith.constant 0 : i32
      %scan3A_73 = arith.constant 64 : i32
      %scan3A_74 = arith.addi %scan3A_72, %scan3A_73 : i32
      %scan3A_75 = arith.constant 1 : i32
      %scan3A_76:32 = scf.for %scan3A_172 = %scan3A_72 to %scan3A_74 step %scan3A_75 iter_args(%scan3A_173 = %broadcast_in_dim3A_9, %scan3A_174 = %broadcast_in_dim3A_11, %scan3A_175 = %broadcast_in_dim3A_13, %scan3A_176 = %broadcast_in_dim3A_15, %scan3A_177 = %broadcast_in_dim3A_17, %scan3A_178 = %broadcast_in_dim3A_19, %scan3A_179 = %broadcast_in_dim3A_21, %scan3A_180 = %broadcast_in_dim3A_23, %scan3A_181 = %broadcast_in_dim3A_25, %scan3A_182 = %broadcast_in_dim3A_27, %scan3A_183 = %broadcast_in_dim3A_29, %scan3A_184 = %broadcast_in_dim3A_31, %scan3A_185 = %broadcast_in_dim3A_33, %scan3A_186 = %broadcast_in_dim3A_35, %scan3A_187 = %broadcast_in_dim3A_37, %scan3A_188 = %broadcast_in_dim3A_39, %scan3A_189 = %broadcast_in_dim3A_41, %scan3A_190 = %broadcast_in_dim3A_43, %scan3A_191 = %broadcast_in_dim3A_45, %scan3A_192 = %broadcast_in_dim3A_47, %scan3A_193 = %broadcast_in_dim3A_49, %scan3A_194 = %broadcast_in_dim3A_51, %scan3A_195 = %broadcast_in_dim3A_53, %scan3A_196 = %broadcast_in_dim3A_55, %scan3A_197 = %broadcast_in_dim3A_57, %scan3A_198 = %broadcast_in_dim3A_59, %scan3A_199 = %broadcast_in_dim3A_61, %scan3A_200 = %broadcast_in_dim3A_63, %scan3A_201 = %broadcast_in_dim3A_65, %scan3A_202 = %broadcast_in_dim3A_67, %scan3A_203 = %broadcast_in_dim3A_69, %scan3A_204 = %broadcast_in_dim3A_71) -> (vector<16xf32>, vector<16xf32>, vector<16xf32>, vector<16xf32>, vector<16xf32>, vector<16xf32>, vector<16xf32>, vector<16xf32>, vector<16xf32>, vector<16xf32>, vector<16xf32>, vector<16xf32>, vector<16xf32>, vector<16xf32>, vector<16xf32>, vector<16xf32>, vector<16xf32>, vector<16xf32>, vector<16xf32>, vector<16xf32>, vector<16xf32>, vector<16xf32>, vector<16xf32>, vector<16xf32>, vector<16xf32>, vector<16xf32>, vector<16xf32>, vector<16xf32>, vector<16xf32>, vector<16xf32>, vector<16xf32>, vector<16xf32>)  : i32 {
        %jit3A = arith.constant 16 : i32
        %div3A = arith.divsi %scan3A_172, %jit3A : i32
        %sign3A = arith.constant 0 : i32
        %sign3A_205 = arith.cmpi sgt, %scan3A_172, %sign3A : i32
        %sign3A_206 = arith.extui %sign3A_205 : i1 to i32
        %sign3A_207 = arith.constant 0 : i32
        %sign3A_208 = arith.cmpi slt, %scan3A_172, %sign3A_207 : i32
        %sign3A_209 = arith.extui %sign3A_208 : i1 to i32
        %sign3A_210 = arith.subi %sign3A_206, %sign3A_209 : i32
        %sign3A_211 = arith.constant 0 : i32
        %sign3A_212 = arith.cmpi sgt, %jit3A, %sign3A_211 : i32
        %sign3A_213 = arith.extui %sign3A_212 : i1 to i32
        %sign3A_214 = arith.constant 0 : i32
        %sign3A_215 = arith.cmpi slt, %jit3A, %sign3A_214 : i32
        %sign3A_216 = arith.extui %sign3A_215 : i1 to i32
        %sign3A_217 = arith.subi %sign3A_213, %sign3A_216 : i32
        %ne3A = arith.cmpi ne, %sign3A_210, %sign3A_217 : i32
        %rem3A = arith.remsi %scan3A_172, %jit3A : i32
        %ne3A_218 = arith.constant 0 : i32
        %ne3A_219 = arith.cmpi ne, %rem3A, %ne3A_218 : i32
        %and3A = arith.andi %ne3A, %ne3A_219 : i1
        %sub3A_220 = arith.constant 1 : i32
        %sub3A_221 = arith.subi %div3A, %sub3A_220 : i32
        %select_n3A = arith.select %and3A, %sub3A_221, %div3A : i32
        %mul3A_222 = arith.constant 16 : i32
        %mul3A_223 = arith.muli %select_n3A, %mul3A_222 : i32
        %get3A = arith.index_cast %scan3A_8 : i32 to index
        %get3A_224 = arith.index_cast %mul3A_223 : i32 to index
        %get3A_225 = tpu.vector_load %arg5[%get3A, %get3A_224] {strides = array<i32>} : memref<40x64xf32, #tpu.memory_space<vmem>>, vector<1x16xf32>,
        %get3A_226 = vector.shape_cast %get3A_225 : vector<1x16xf32> to vector<16xf32>
        %jit3A_227 = arith.constant 16 : i32
        %eq3A = arith.constant 0 : i32
        %eq3A_228 = arith.cmpi eq, %jit3A_227, %eq3A : i32
        %jit3A_229 = arith.constant 1 : i32
        %select_n3A_230 = arith.select %eq3A_228, %jit3A_229, %jit3A_227 : i32
        %rem3A_231 = arith.remsi %scan3A_172, %select_n3A_230 : i32
        %ne3A_232 = arith.constant 0 : i32
        %ne3A_233 = arith.cmpi ne, %rem3A_231, %ne3A_232 : i32
        %lt3A = arith.constant 0 : i32
        %lt3A_234 = arith.cmpi slt, %rem3A_231, %lt3A : i32
        %lt3A_235 = arith.constant 0 : i32
        %lt3A_236 = arith.cmpi slt, %select_n3A_230, %lt3A_235 : i32
        %ne3A_237 = arith.xori %lt3A_234, %lt3A_236 : i1
        %and3A_238 = arith.andi %ne3A_237, %ne3A_233 : i1
        %add3A_239 = arith.addi %rem3A_231, %select_n3A_230 : i32
        %select_n3A_240 = arith.select %and3A_238, %add3A_239, %rem3A_231 : i32
        %broadcast_in_dim3A_241 = vector.broadcast %select_n3A_240 : i32 to vector<16xi32>
        %lt3A_242 = arith.constant 0 : i32
        %lt3A_243 = vector.broadcast %lt3A_242 : i32 to vector<16xi32>
        %lt3A_244 = arith.cmpi slt, %broadcast_in_dim3A_241, %lt3A_243 : vector<16xi32>
        %add3A_245 = arith.constant 16 : i32
        %add3A_246 = vector.broadcast %add3A_245 : i32 to vector<16xi32>
        %add3A_247 = arith.addi %broadcast_in_dim3A_241, %add3A_246 : vector<16xi32>
        %select_n3A_248 = arith.select %lt3A_244, %add3A_247, %broadcast_in_dim3A_241 : vector<16xi1>, vector<16xi32>
        %broadcast_in_dim3A_249 = vector.shape_cast %select_n3A_248 : vector<16xi32> to vector<16x1xi32>
        %gather3A = vector.shape_cast %broadcast_in_dim3A_249 : vector<16x1xi32> to vector<16xi32>
        %gather3A_250 = tpu.dynamic_gather %get3A_226[%gather3A] in [0] : vector<16xf32>, vector<16xi32> -> vector<16xf32>
        %get3A_251 = arith.index_cast %scan3A_172 : i32 to index
        %get3A_252 = arith.constant 0 : index
        %get3A_253 = tpu.vector_load %arg6[%get3A_251, %get3A_252] {strides = array<i32>} : memref<64x256xf32, #tpu.memory_space<vmem>>, vector<1x16xf32>,
        %get3A_254 = vector.shape_cast %get3A_253 : vector<1x16xf32> to vector<16xf32>
        %add3A_255 = arith.addf %get3A_254, %gather3A_250 : vector<16xf32>
        %max3A = arith.maximumf %scan3A_173, %add3A_255 : vector<16xf32>
        %min3A = arith.minimumf %scan3A_174, %add3A_255 : vector<16xf32>
        %get3A_256 = arith.index_cast %scan3A_172 : i32 to index
        %get3A_257 = arith.constant 16 : index
        %get3A_258 = tpu.vector_load %arg6[%get3A_256, %get3A_257] {strides = array<i32>} : memref<64x256xf32, #tpu.memory_space<vmem>>, vector<1x16xf32>,
        %get3A_259 = vector.shape_cast %get3A_258 : vector<1x16xf32> to vector<16xf32>
        %add3A_260 = arith.addf %get3A_259, %gather3A_250 : vector<16xf32>
        %max3A_261 = arith.maximumf %scan3A_175, %add3A_260 : vector<16xf32>
        %min3A_262 = arith.minimumf %scan3A_176, %add3A_260 : vector<16xf32>
        %get3A_263 = arith.index_cast %scan3A_172 : i32 to index
        %get3A_264 = arith.constant 32 : index
        %get3A_265 = tpu.vector_load %arg6[%get3A_263, %get3A_264] {strides = array<i32>} : memref<64x256xf32, #tpu.memory_space<vmem>>, vector<1x16xf32>,
        %get3A_266 = vector.shape_cast %get3A_265 : vector<1x16xf32> to vector<16xf32>
        %add3A_267 = arith.addf %get3A_266, %gather3A_250 : vector<16xf32>
        %max3A_268 = arith.maximumf %scan3A_177, %add3A_267 : vector<16xf32>
        %min3A_269 = arith.minimumf %scan3A_178, %add3A_267 : vector<16xf32>
        %get3A_270 = arith.index_cast %scan3A_172 : i32 to index
        %get3A_271 = arith.constant 48 : index
        %get3A_272 = tpu.vector_load %arg6[%get3A_270, %get3A_271] {strides = array<i32>} : memref<64x256xf32, #tpu.memory_space<vmem>>, vector<1x16xf32>,
        %get3A_273 = vector.shape_cast %get3A_272 : vector<1x16xf32> to vector<16xf32>
        %add3A_274 = arith.addf %get3A_273, %gather3A_250 : vector<16xf32>
        %max3A_275 = arith.maximumf %scan3A_179, %add3A_274 : vector<16xf32>
        %min3A_276 = arith.minimumf %scan3A_180, %add3A_274 : vector<16xf32>
        %get3A_277 = arith.index_cast %scan3A_172 : i32 to index
        %get3A_278 = arith.constant 64 : index
        %get3A_279 = tpu.vector_load %arg6[%get3A_277, %get3A_278] {strides = array<i32>} : memref<64x256xf32, #tpu.memory_space<vmem>>, vector<1x16xf32>,
        %get3A_280 = vector.shape_cast %get3A_279 : vector<1x16xf32> to vector<16xf32>
        %add3A_281 = arith.addf %get3A_280, %gather3A_250 : vector<16xf32>
        %max3A_282 = arith.maximumf %scan3A_181, %add3A_281 : vector<16xf32>
        %min3A_283 = arith.minimumf %scan3A_182, %add3A_281 : vector<16xf32>
        %get3A_284 = arith.index_cast %scan3A_172 : i32 to index
        %get3A_285 = arith.constant 80 : index
        %get3A_286 = tpu.vector_load %arg6[%get3A_284, %get3A_285] {strides = array<i32>} : memref<64x256xf32, #tpu.memory_space<vmem>>, vector<1x16xf32>,
        %get3A_287 = vector.shape_cast %get3A_286 : vector<1x16xf32> to vector<16xf32>
        %add3A_288 = arith.addf %get3A_287, %gather3A_250 : vector<16xf32>
        %max3A_289 = arith.maximumf %scan3A_183, %add3A_288 : vector<16xf32>
        %min3A_290 = arith.minimumf %scan3A_184, %add3A_288 : vector<16xf32>
        %get3A_291 = arith.index_cast %scan3A_172 : i32 to index
        %get3A_292 = arith.constant 96 : index
        %get3A_293 = tpu.vector_load %arg6[%get3A_291, %get3A_292] {strides = array<i32>} : memref<64x256xf32, #tpu.memory_space<vmem>>, vector<1x16xf32>,
        %get3A_294 = vector.shape_cast %get3A_293 : vector<1x16xf32> to vector<16xf32>
        %add3A_295 = arith.addf %get3A_294, %gather3A_250 : vector<16xf32>
        %max3A_296 = arith.maximumf %scan3A_185, %add3A_295 : vector<16xf32>
        %min3A_297 = arith.minimumf %scan3A_186, %add3A_295 : vector<16xf32>
        %get3A_298 = arith.index_cast %scan3A_172 : i32 to index
        %get3A_299 = arith.constant 112 : index
        %get3A_300 = tpu.vector_load %arg6[%get3A_298, %get3A_299] {strides = array<i32>} : memref<64x256xf32, #tpu.memory_space<vmem>>, vector<1x16xf32>,
        %get3A_301 = vector.shape_cast %get3A_300 : vector<1x16xf32> to vector<16xf32>
        %add3A_302 = arith.addf %get3A_301, %gather3A_250 : vector<16xf32>
        %max3A_303 = arith.maximumf %scan3A_187, %add3A_302 : vector<16xf32>
        %min3A_304 = arith.minimumf %scan3A_188, %add3A_302 : vector<16xf32>
        %get3A_305 = arith.index_cast %scan3A_172 : i32 to index
        %get3A_306 = arith.constant 128 : index
        %get3A_307 = tpu.vector_load %arg6[%get3A_305, %get3A_306] {strides = array<i32>} : memref<64x256xf32, #tpu.memory_space<vmem>>, vector<1x16xf32>,
        %get3A_308 = vector.shape_cast %get3A_307 : vector<1x16xf32> to vector<16xf32>
        %add3A_309 = arith.addf %get3A_308, %gather3A_250 : vector<16xf32>
        %max3A_310 = arith.maximumf %scan3A_189, %add3A_309 : vector<16xf32>
        %min3A_311 = arith.minimumf %scan3A_190, %add3A_309 : vector<16xf32>
        %get3A_312 = arith.index_cast %scan3A_172 : i32 to index
        %get3A_313 = arith.constant 144 : index
        %get3A_314 = tpu.vector_load %arg6[%get3A_312, %get3A_313] {strides = array<i32>} : memref<64x256xf32, #tpu.memory_space<vmem>>, vector<1x16xf32>,
        %get3A_315 = vector.shape_cast %get3A_314 : vector<1x16xf32> to vector<16xf32>
        %add3A_316 = arith.addf %get3A_315, %gather3A_250 : vector<16xf32>
        %max3A_317 = arith.maximumf %scan3A_191, %add3A_316 : vector<16xf32>
        %min3A_318 = arith.minimumf %scan3A_192, %add3A_316 : vector<16xf32>
        %get3A_319 = arith.index_cast %scan3A_172 : i32 to index
        %get3A_320 = arith.constant 160 : index
        %get3A_321 = tpu.vector_load %arg6[%get3A_319, %get3A_320] {strides = array<i32>} : memref<64x256xf32, #tpu.memory_space<vmem>>, vector<1x16xf32>,
        %get3A_322 = vector.shape_cast %get3A_321 : vector<1x16xf32> to vector<16xf32>
        %add3A_323 = arith.addf %get3A_322, %gather3A_250 : vector<16xf32>
        %max3A_324 = arith.maximumf %scan3A_193, %add3A_323 : vector<16xf32>
        %min3A_325 = arith.minimumf %scan3A_194, %add3A_323 : vector<16xf32>
        %get3A_326 = arith.index_cast %scan3A_172 : i32 to index
        %get3A_327 = arith.constant 176 : index
        %get3A_328 = tpu.vector_load %arg6[%get3A_326, %get3A_327] {strides = array<i32>} : memref<64x256xf32, #tpu.memory_space<vmem>>, vector<1x16xf32>,
        %get3A_329 = vector.shape_cast %get3A_328 : vector<1x16xf32> to vector<16xf32>
        %add3A_330 = arith.addf %get3A_329, %gather3A_250 : vector<16xf32>
        %max3A_331 = arith.maximumf %scan3A_195, %add3A_330 : vector<16xf32>
        %min3A_332 = arith.minimumf %scan3A_196, %add3A_330 : vector<16xf32>
        %get3A_333 = arith.index_cast %scan3A_172 : i32 to index
        %get3A_334 = arith.constant 192 : index
        %get3A_335 = tpu.vector_load %arg6[%get3A_333, %get3A_334] {strides = array<i32>} : memref<64x256xf32, #tpu.memory_space<vmem>>, vector<1x16xf32>,
        %get3A_336 = vector.shape_cast %get3A_335 : vector<1x16xf32> to vector<16xf32>
        %add3A_337 = arith.addf %get3A_336, %gather3A_250 : vector<16xf32>
        %max3A_338 = arith.maximumf %scan3A_197, %add3A_337 : vector<16xf32>
        %min3A_339 = arith.minimumf %scan3A_198, %add3A_337 : vector<16xf32>
        %get3A_340 = arith.index_cast %scan3A_172 : i32 to index
        %get3A_341 = arith.constant 208 : index
        %get3A_342 = tpu.vector_load %arg6[%get3A_340, %get3A_341] {strides = array<i32>} : memref<64x256xf32, #tpu.memory_space<vmem>>, vector<1x16xf32>,
        %get3A_343 = vector.shape_cast %get3A_342 : vector<1x16xf32> to vector<16xf32>
        %add3A_344 = arith.addf %get3A_343, %gather3A_250 : vector<16xf32>
        %max3A_345 = arith.maximumf %scan3A_199, %add3A_344 : vector<16xf32>
        %min3A_346 = arith.minimumf %scan3A_200, %add3A_344 : vector<16xf32>
        %get3A_347 = arith.index_cast %scan3A_172 : i32 to index
        %get3A_348 = arith.constant 224 : index
        %get3A_349 = tpu.vector_load %arg6[%get3A_347, %get3A_348] {strides = array<i32>} : memref<64x256xf32, #tpu.memory_space<vmem>>, vector<1x16xf32>,
        %get3A_350 = vector.shape_cast %get3A_349 : vector<1x16xf32> to vector<16xf32>
        %add3A_351 = arith.addf %get3A_350, %gather3A_250 : vector<16xf32>
        %max3A_352 = arith.maximumf %scan3A_201, %add3A_351 : vector<16xf32>
        %min3A_353 = arith.minimumf %scan3A_202, %add3A_351 : vector<16xf32>
        %get3A_354 = arith.index_cast %scan3A_172 : i32 to index
        %get3A_355 = arith.constant 240 : index
        %get3A_356 = tpu.vector_load %arg6[%get3A_354, %get3A_355] {strides = array<i32>} : memref<64x256xf32, #tpu.memory_space<vmem>>, vector<1x16xf32>,
        %get3A_357 = vector.shape_cast %get3A_356 : vector<1x16xf32> to vector<16xf32>
        %add3A_358 = arith.addf %get3A_357, %gather3A_250 : vector<16xf32>
        %max3A_359 = arith.maximumf %scan3A_203, %add3A_358 : vector<16xf32>
        %min3A_360 = arith.minimumf %scan3A_204, %add3A_358 : vector<16xf32>
        scf.yield %max3A, %min3A, %max3A_261, %min3A_262, %max3A_268, %min3A_269, %max3A_275, %min3A_276, %max3A_282, %min3A_283, %max3A_289, %min3A_290, %max3A_296, %min3A_297, %max3A_303, %min3A_304, %max3A_310, %min3A_311, %max3A_317, %min3A_318, %max3A_324, %min3A_325, %max3A_331, %min3A_332, %max3A_338, %min3A_339, %max3A_345, %min3A_346, %max3A_352, %min3A_353, %max3A_359, %min3A_360 : vector<16xf32>, vector<16xf32>, vector<16xf32>, vector<16xf32>, vector<16xf32>, vector<16xf32>, vector<16xf32>, vector<16xf32>, vector<16xf32>, vector<16xf32>, vector<16xf32>, vector<16xf32>, vector<16xf32>, vector<16xf32>, vector<16xf32>, vector<16xf32>, vector<16xf32>, vector<16xf32>, vector<16xf32>, vector<16xf32>, vector<16xf32>, vector<16xf32>, vector<16xf32>, vector<16xf32>, vector<16xf32>, vector<16xf32>, vector<16xf32>, vector<16xf32>, vector<16xf32>, vector<16xf32>, vector<16xf32>, vector<16xf32>
      }
      %scan3A_77 = arith.constant 64 : i32
      %sub3A = arith.subf %scan3A_76#0, %scan3A_76#1 : vector<16xf32>
      %swap3A = arith.index_cast %scan3A_8 : i32 to index
      %swap3A_78 = arith.constant 0 : index
      %swap3A_79 = tpu.vector_load %arg7[%swap3A, %swap3A_78] {strides = array<i32>} : memref<40x256xf32, #tpu.memory_space<vmem>>, vector<1x16xf32>,
      %swap3A_80 = vector.shape_cast %swap3A_79 : vector<1x16xf32> to vector<16xf32>
      %swap3A_81 = vector.shape_cast %sub3A : vector<16xf32> to vector<1x16xf32>
      tpu.vector_store %arg7[%swap3A, %swap3A_78], %swap3A_81 {strides = array<i32>} : memref<40x256xf32, #tpu.memory_space<vmem>>, vector<1x16xf32>,
      %sub3A_82 = arith.subf %scan3A_76#2, %scan3A_76#3 : vector<16xf32>
      %swap3A_83 = arith.index_cast %scan3A_8 : i32 to index
      %swap3A_84 = arith.constant 16 : index
      %swap3A_85 = tpu.vector_load %arg7[%swap3A_83, %swap3A_84] {strides = array<i32>} : memref<40x256xf32, #tpu.memory_space<vmem>>, vector<1x16xf32>,
      %swap3A_86 = vector.shape_cast %swap3A_85 : vector<1x16xf32> to vector<16xf32>
      %swap3A_87 = vector.shape_cast %sub3A_82 : vector<16xf32> to vector<1x16xf32>
      tpu.vector_store %arg7[%swap3A_83, %swap3A_84], %swap3A_87 {strides = array<i32>} : memref<40x256xf32, #tpu.memory_space<vmem>>, vector<1x16xf32>,
      %sub3A_88 = arith.subf %scan3A_76#4, %scan3A_76#5 : vector<16xf32>
      %swap3A_89 = arith.index_cast %scan3A_8 : i32 to index
      %swap3A_90 = arith.constant 32 : index
      %swap3A_91 = tpu.vector_load %arg7[%swap3A_89, %swap3A_90] {strides = array<i32>} : memref<40x256xf32, #tpu.memory_space<vmem>>, vector<1x16xf32>,
      %swap3A_92 = vector.shape_cast %swap3A_91 : vector<1x16xf32> to vector<16xf32>
      %swap3A_93 = vector.shape_cast %sub3A_88 : vector<16xf32> to vector<1x16xf32>
      tpu.vector_store %arg7[%swap3A_89, %swap3A_90], %swap3A_93 {strides = array<i32>} : memref<40x256xf32, #tpu.memory_space<vmem>>, vector<1x16xf32>,
      %sub3A_94 = arith.subf %scan3A_76#6, %scan3A_76#7 : vector<16xf32>
      %swap3A_95 = arith.index_cast %scan3A_8 : i32 to index
      %swap3A_96 = arith.constant 48 : index
      %swap3A_97 = tpu.vector_load %arg7[%swap3A_95, %swap3A_96] {strides = array<i32>} : memref<40x256xf32, #tpu.memory_space<vmem>>, vector<1x16xf32>,
      %swap3A_98 = vector.shape_cast %swap3A_97 : vector<1x16xf32> to vector<16xf32>
      %swap3A_99 = vector.shape_cast %sub3A_94 : vector<16xf32> to vector<1x16xf32>
      tpu.vector_store %arg7[%swap3A_95, %swap3A_96], %swap3A_99 {strides = array<i32>} : memref<40x256xf32, #tpu.memory_space<vmem>>, vector<1x16xf32>,
      %sub3A_100 = arith.subf %scan3A_76#8, %scan3A_76#9 : vector<16xf32>
      %swap3A_101 = arith.index_cast %scan3A_8 : i32 to index
      %swap3A_102 = arith.constant 64 : index
      %swap3A_103 = tpu.vector_load %arg7[%swap3A_101, %swap3A_102] {strides = array<i32>} : memref<40x256xf32, #tpu.memory_space<vmem>>, vector<1x16xf32>,
      %swap3A_104 = vector.shape_cast %swap3A_103 : vector<1x16xf32> to vector<16xf32>
      %swap3A_105 = vector.shape_cast %sub3A_100 : vector<16xf32> to vector<1x16xf32>
      tpu.vector_store %arg7[%swap3A_101, %swap3A_102], %swap3A_105 {strides = array<i32>} : memref<40x256xf32, #tpu.memory_space<vmem>>, vector<1x16xf32>,
      %sub3A_106 = arith.subf %scan3A_76#10, %scan3A_76#11 : vector<16xf32>
      %swap3A_107 = arith.index_cast %scan3A_8 : i32 to index
      %swap3A_108 = arith.constant 80 : index
      %swap3A_109 = tpu.vector_load %arg7[%swap3A_107, %swap3A_108] {strides = array<i32>} : memref<40x256xf32, #tpu.memory_space<vmem>>, vector<1x16xf32>,
      %swap3A_110 = vector.shape_cast %swap3A_109 : vector<1x16xf32> to vector<16xf32>
      %swap3A_111 = vector.shape_cast %sub3A_106 : vector<16xf32> to vector<1x16xf32>
      tpu.vector_store %arg7[%swap3A_107, %swap3A_108], %swap3A_111 {strides = array<i32>} : memref<40x256xf32, #tpu.memory_space<vmem>>, vector<1x16xf32>,
      %sub3A_112 = arith.subf %scan3A_76#12, %scan3A_76#13 : vector<16xf32>
      %swap3A_113 = arith.index_cast %scan3A_8 : i32 to index
      %swap3A_114 = arith.constant 96 : index
      %swap3A_115 = tpu.vector_load %arg7[%swap3A_113, %swap3A_114] {strides = array<i32>} : memref<40x256xf32, #tpu.memory_space<vmem>>, vector<1x16xf32>,
      %swap3A_116 = vector.shape_cast %swap3A_115 : vector<1x16xf32> to vector<16xf32>
      %swap3A_117 = vector.shape_cast %sub3A_112 : vector<16xf32> to vector<1x16xf32>
      tpu.vector_store %arg7[%swap3A_113, %swap3A_114], %swap3A_117 {strides = array<i32>} : memref<40x256xf32, #tpu.memory_space<vmem>>, vector<1x16xf32>,
      %sub3A_118 = arith.subf %scan3A_76#14, %scan3A_76#15 : vector<16xf32>
      %swap3A_119 = arith.index_cast %scan3A_8 : i32 to index
      %swap3A_120 = arith.constant 112 : index
      %swap3A_121 = tpu.vector_load %arg7[%swap3A_119, %swap3A_120] {strides = array<i32>} : memref<40x256xf32, #tpu.memory_space<vmem>>, vector<1x16xf32>,
      %swap3A_122 = vector.shape_cast %swap3A_121 : vector<1x16xf32> to vector<16xf32>
      %swap3A_123 = vector.shape_cast %sub3A_118 : vector<16xf32> to vector<1x16xf32>
      tpu.vector_store %arg7[%swap3A_119, %swap3A_120], %swap3A_123 {strides = array<i32>} : memref<40x256xf32, #tpu.memory_space<vmem>>, vector<1x16xf32>,
      %sub3A_124 = arith.subf %scan3A_76#16, %scan3A_76#17 : vector<16xf32>
      %swap3A_125 = arith.index_cast %scan3A_8 : i32 to index
      %swap3A_126 = arith.constant 128 : index
      %swap3A_127 = tpu.vector_load %arg7[%swap3A_125, %swap3A_126] {strides = array<i32>} : memref<40x256xf32, #tpu.memory_space<vmem>>, vector<1x16xf32>,
      %swap3A_128 = vector.shape_cast %swap3A_127 : vector<1x16xf32> to vector<16xf32>
      %swap3A_129 = vector.shape_cast %sub3A_124 : vector<16xf32> to vector<1x16xf32>
      tpu.vector_store %arg7[%swap3A_125, %swap3A_126], %swap3A_129 {strides = array<i32>} : memref<40x256xf32, #tpu.memory_space<vmem>>, vector<1x16xf32>,
      %sub3A_130 = arith.subf %scan3A_76#18, %scan3A_76#19 : vector<16xf32>
      %swap3A_131 = arith.index_cast %scan3A_8 : i32 to index
      %swap3A_132 = arith.constant 144 : index
      %swap3A_133 = tpu.vector_load %arg7[%swap3A_131, %swap3A_132] {strides = array<i32>} : memref<40x256xf32, #tpu.memory_space<vmem>>, vector<1x16xf32>,
      %swap3A_134 = vector.shape_cast %swap3A_133 : vector<1x16xf32> to vector<16xf32>
      %swap3A_135 = vector.shape_cast %sub3A_130 : vector<16xf32> to vector<1x16xf32>
      tpu.vector_store %arg7[%swap3A_131, %swap3A_132], %swap3A_135 {strides = array<i32>} : memref<40x256xf32, #tpu.memory_space<vmem>>, vector<1x16xf32>,
      %sub3A_136 = arith.subf %scan3A_76#20, %scan3A_76#21 : vector<16xf32>
      %swap3A_137 = arith.index_cast %scan3A_8 : i32 to index
      %swap3A_138 = arith.constant 160 : index
      %swap3A_139 = tpu.vector_load %arg7[%swap3A_137, %swap3A_138] {strides = array<i32>} : memref<40x256xf32, #tpu.memory_space<vmem>>, vector<1x16xf32>,
      %swap3A_140 = vector.shape_cast %swap3A_139 : vector<1x16xf32> to vector<16xf32>
      %swap3A_141 = vector.shape_cast %sub3A_136 : vector<16xf32> to vector<1x16xf32>
      tpu.vector_store %arg7[%swap3A_137, %swap3A_138], %swap3A_141 {strides = array<i32>} : memref<40x256xf32, #tpu.memory_space<vmem>>, vector<1x16xf32>,
      %sub3A_142 = arith.subf %scan3A_76#22, %scan3A_76#23 : vector<16xf32>
      %swap3A_143 = arith.index_cast %scan3A_8 : i32 to index
      %swap3A_144 = arith.constant 176 : index
      %swap3A_145 = tpu.vector_load %arg7[%swap3A_143, %swap3A_144] {strides = array<i32>} : memref<40x256xf32, #tpu.memory_space<vmem>>, vector<1x16xf32>,
      %swap3A_146 = vector.shape_cast %swap3A_145 : vector<1x16xf32> to vector<16xf32>
      %swap3A_147 = vector.shape_cast %sub3A_142 : vector<16xf32> to vector<1x16xf32>
      tpu.vector_store %arg7[%swap3A_143, %swap3A_144], %swap3A_147 {strides = array<i32>} : memref<40x256xf32, #tpu.memory_space<vmem>>, vector<1x16xf32>,
      %sub3A_148 = arith.subf %scan3A_76#24, %scan3A_76#25 : vector<16xf32>
      %swap3A_149 = arith.index_cast %scan3A_8 : i32 to index
      %swap3A_150 = arith.constant 192 : index
      %swap3A_151 = tpu.vector_load %arg7[%swap3A_149, %swap3A_150] {strides = array<i32>} : memref<40x256xf32, #tpu.memory_space<vmem>>, vector<1x16xf32>,
      %swap3A_152 = vector.shape_cast %swap3A_151 : vector<1x16xf32> to vector<16xf32>
      %swap3A_153 = vector.shape_cast %sub3A_148 : vector<16xf32> to vector<1x16xf32>
      tpu.vector_store %arg7[%swap3A_149, %swap3A_150], %swap3A_153 {strides = array<i32>} : memref<40x256xf32, #tpu.memory_space<vmem>>, vector<1x16xf32>,
      %sub3A_154 = arith.subf %scan3A_76#26, %scan3A_76#27 : vector<16xf32>
      %swap3A_155 = arith.index_cast %scan3A_8 : i32 to index
      %swap3A_156 = arith.constant 208 : index
      %swap3A_157 = tpu.vector_load %arg7[%swap3A_155, %swap3A_156] {strides = array<i32>} : memref<40x256xf32, #tpu.memory_space<vmem>>, vector<1x16xf32>,
      %swap3A_158 = vector.shape_cast %swap3A_157 : vector<1x16xf32> to vector<16xf32>
      %swap3A_159 = vector.shape_cast %sub3A_154 : vector<16xf32> to vector<1x16xf32>
      tpu.vector_store %arg7[%swap3A_155, %swap3A_156], %swap3A_159 {strides = array<i32>} : memref<40x256xf32, #tpu.memory_space<vmem>>, vector<1x16xf32>,
      %sub3A_160 = arith.subf %scan3A_76#28, %scan3A_76#29 : vector<16xf32>
      %swap3A_161 = arith.index_cast %scan3A_8 : i32 to index
      %swap3A_162 = arith.constant 224 : index
      %swap3A_163 = tpu.vector_load %arg7[%swap3A_161, %swap3A_162] {strides = array<i32>} : memref<40x256xf32, #tpu.memory_space<vmem>>, vector<1x16xf32>,
      %swap3A_164 = vector.shape_cast %swap3A_163 : vector<1x16xf32> to vector<16xf32>
      %swap3A_165 = vector.shape_cast %sub3A_160 : vector<16xf32> to vector<1x16xf32>
      tpu.vector_store %arg7[%swap3A_161, %swap3A_162], %swap3A_165 {strides = array<i32>} : memref<40x256xf32, #tpu.memory_space<vmem>>, vector<1x16xf32>,
      %sub3A_166 = arith.subf %scan3A_76#30, %scan3A_76#31 : vector<16xf32>
      %swap3A_167 = arith.index_cast %scan3A_8 : i32 to index
      %swap3A_168 = arith.constant 240 : index
      %swap3A_169 = tpu.vector_load %arg7[%swap3A_167, %swap3A_168] {strides = array<i32>} : memref<40x256xf32, #tpu.memory_space<vmem>>, vector<1x16xf32>,
      %swap3A_170 = vector.shape_cast %swap3A_169 : vector<1x16xf32> to vector<16xf32>
      %swap3A_171 = vector.shape_cast %sub3A_166 : vector<16xf32> to vector<1x16xf32>
      tpu.vector_store %arg7[%swap3A_167, %swap3A_168], %swap3A_171 {strides = array<i32>} : memref<40x256xf32, #tpu.memory_space<vmem>>, vector<1x16xf32>,
    }
    %scan3A_7 = arith.constant 40 : i32
    "tpu.region"() ({
      %run_scoped3A = tpu.sem_alloc : memref<!tpu.dma_semaphore, #tpu.memory_space<semaphore_mem>>
      %dma_start3A = arith.constant 0 : i32
      %dma_start3A_8 = tpu.memref_slice %arg4[%mul3A_2, %dma_start3A] : memref<1280x256xf32, #tpu.memory_space<hbm>> -> memref<40x256xf32, #tpu.memory_space<hbm>>
      %dma_start3A_9 = arith.constant 0 : i32
      %dma_start3A_10 = tpu.memref_slice %arg4[%mul3A_2, %dma_start3A_9] : memref<1280x256xf32, #tpu.memory_space<hbm>> -> memref<40x256xf32, #tpu.memory_space<hbm>>
      tpu.enqueue_dma source(%arg7 : memref<40x256xf32, #tpu.memory_space<vmem>>) target(%dma_start3A_10 : memref<40x256xf32, #tpu.memory_space<hbm>>) target_semaphore(%run_scoped3A : memref<!tpu.dma_semaphore, #tpu.memory_space<semaphore_mem>>)
      %dma_wait3A = arith.constant 0 : i32
      %dma_wait3A_11 = tpu.memref_slice %arg4[%mul3A_2, %dma_wait3A] : memref<1280x256xf32, #tpu.memory_space<hbm>> -> memref<40x256xf32, #tpu.memory_space<hbm>>
      %dma_wait3A_12 = arith.constant 0 : i32
      %dma_wait3A_13 = tpu.memref_slice %arg4[%mul3A_2, %dma_wait3A_12] : memref<1280x256xf32, #tpu.memory_space<hbm>> -> memref<40x256xf32, #tpu.memory_space<hbm>>
      tpu.wait_dma2 semaphore(%run_scoped3A : memref<!tpu.dma_semaphore, #tpu.memory_space<semaphore_mem>>) src(%arg7 : memref<40x256xf32, #tpu.memory_space<vmem>>) dst(%dma_wait3A_13 : memref<40x256xf32, #tpu.memory_space<hbm>>)
      tpu.yield
    }) : () -> ()
    return
  }
}

module attributes {stable_mosaic.version = 14 : i64} {
  func.func @_tc_block_body(%arg0: i32, %arg1: memref<64x64xf32, #tpu.memory_space<vmem>>, %arg2: memref<64x256xf32, #tpu.memory_space<vmem>>, %arg3: memref<64x256xf32, #tpu.memory_space<vmem>>) attributes {dimension_semantics = [#tpu.dimension_semantics<arbitrary>], iteration_bounds = array<i64: 44>, scalar_prefetch = 0 : i64, scratch_operands = 0 : i64, tpu.core_type = #tpu.core_type<tc>, window_params = [{transform_indices = @transform_0, window_bounds = array<i64: 64, 64>}, {pipeline_mode = #tpu.pipeline_mode<synchronous>, transform_indices = @transform_1, window_bounds = array<i64: 64, 256>}, {transform_indices = @transform_2, window_bounds = array<i64: 64, 256>}]} {
    %broadcast_in_dim3A = arith.constant 0xFF800000 : f32
    %broadcast_in_dim3A_0 = vector.broadcast %broadcast_in_dim3A : f32 to vector<64x256xf32>
    %broadcast_in_dim3A_1 = arith.constant 0x7F800000 : f32
    %broadcast_in_dim3A_2 = vector.broadcast %broadcast_in_dim3A_1 : f32 to vector<64x256xf32>
    %get3A = arith.constant 0 : index
    %get3A_3 = arith.constant 0 : index
    %get3A_4 = vector.load %arg1[%get3A, %get3A_3] : memref<64x64xf32, #tpu.memory_space<vmem>>, vector<64x1xf32>
    %get3A_5 = vector.shape_cast %get3A_4 : vector<64x1xf32> to vector<64xf32>
    %broadcast_in_dim3A_6 = vector.shape_cast %get3A_5 : vector<64xf32> to vector<64x1xf32>
    %get3A_7 = arith.constant 0 : index
    %get3A_8 = arith.constant 0 : index
    %get3A_9 = vector.load %arg2[%get3A_7, %get3A_8] : memref<64x256xf32, #tpu.memory_space<vmem>>, vector<1x256xf32>
    %get3A_10 = vector.shape_cast %get3A_9 : vector<1x256xf32> to vector<256xf32>
    %broadcast_in_dim3A_11 = vector.shape_cast %get3A_10 : vector<256xf32> to vector<1x256xf32>
    %add3A = vector.broadcast %broadcast_in_dim3A_6 : vector<64x1xf32> to vector<64x256xf32>
    %add3A_12 = vector.broadcast %broadcast_in_dim3A_11 : vector<1x256xf32> to vector<64x256xf32>
    %add3A_13 = arith.addf %add3A, %add3A_12 : vector<64x256xf32>
    %max3A = arith.maximumf %broadcast_in_dim3A_0, %add3A_13 : vector<64x256xf32>
    %min3A = arith.minimumf %broadcast_in_dim3A_2, %add3A_13 : vector<64x256xf32>
    %get3A_14 = arith.constant 0 : index
    %get3A_15 = arith.constant 1 : index
    %get3A_16 = vector.load %arg1[%get3A_14, %get3A_15] : memref<64x64xf32, #tpu.memory_space<vmem>>, vector<64x1xf32>
    %get3A_17 = vector.shape_cast %get3A_16 : vector<64x1xf32> to vector<64xf32>
    %broadcast_in_dim3A_18 = vector.shape_cast %get3A_17 : vector<64xf32> to vector<64x1xf32>
    %get3A_19 = arith.constant 1 : index
    %get3A_20 = arith.constant 0 : index
    %get3A_21 = vector.load %arg2[%get3A_19, %get3A_20] : memref<64x256xf32, #tpu.memory_space<vmem>>, vector<1x256xf32>
    %get3A_22 = vector.shape_cast %get3A_21 : vector<1x256xf32> to vector<256xf32>
    %broadcast_in_dim3A_23 = vector.shape_cast %get3A_22 : vector<256xf32> to vector<1x256xf32>
    %add3A_24 = vector.broadcast %broadcast_in_dim3A_18 : vector<64x1xf32> to vector<64x256xf32>
    %add3A_25 = vector.broadcast %broadcast_in_dim3A_23 : vector<1x256xf32> to vector<64x256xf32>
    %add3A_26 = arith.addf %add3A_24, %add3A_25 : vector<64x256xf32>
    %max3A_27 = arith.maximumf %max3A, %add3A_26 : vector<64x256xf32>
    %min3A_28 = arith.minimumf %min3A, %add3A_26 : vector<64x256xf32>
    %get3A_29 = arith.constant 0 : index
    %get3A_30 = arith.constant 2 : index
    %get3A_31 = vector.load %arg1[%get3A_29, %get3A_30] : memref<64x64xf32, #tpu.memory_space<vmem>>, vector<64x1xf32>
    %get3A_32 = vector.shape_cast %get3A_31 : vector<64x1xf32> to vector<64xf32>
    %broadcast_in_dim3A_33 = vector.shape_cast %get3A_32 : vector<64xf32> to vector<64x1xf32>
    %get3A_34 = arith.constant 2 : index
    %get3A_35 = arith.constant 0 : index
    %get3A_36 = vector.load %arg2[%get3A_34, %get3A_35] : memref<64x256xf32, #tpu.memory_space<vmem>>, vector<1x256xf32>
    %get3A_37 = vector.shape_cast %get3A_36 : vector<1x256xf32> to vector<256xf32>
    %broadcast_in_dim3A_38 = vector.shape_cast %get3A_37 : vector<256xf32> to vector<1x256xf32>
    %add3A_39 = vector.broadcast %broadcast_in_dim3A_33 : vector<64x1xf32> to vector<64x256xf32>
    %add3A_40 = vector.broadcast %broadcast_in_dim3A_38 : vector<1x256xf32> to vector<64x256xf32>
    %add3A_41 = arith.addf %add3A_39, %add3A_40 : vector<64x256xf32>
    %max3A_42 = arith.maximumf %max3A_27, %add3A_41 : vector<64x256xf32>
    %min3A_43 = arith.minimumf %min3A_28, %add3A_41 : vector<64x256xf32>
    %get3A_44 = arith.constant 0 : index
    %get3A_45 = arith.constant 3 : index
    %get3A_46 = vector.load %arg1[%get3A_44, %get3A_45] : memref<64x64xf32, #tpu.memory_space<vmem>>, vector<64x1xf32>
    %get3A_47 = vector.shape_cast %get3A_46 : vector<64x1xf32> to vector<64xf32>
    %broadcast_in_dim3A_48 = vector.shape_cast %get3A_47 : vector<64xf32> to vector<64x1xf32>
    %get3A_49 = arith.constant 3 : index
    %get3A_50 = arith.constant 0 : index
    %get3A_51 = vector.load %arg2[%get3A_49, %get3A_50] : memref<64x256xf32, #tpu.memory_space<vmem>>, vector<1x256xf32>
    %get3A_52 = vector.shape_cast %get3A_51 : vector<1x256xf32> to vector<256xf32>
    %broadcast_in_dim3A_53 = vector.shape_cast %get3A_52 : vector<256xf32> to vector<1x256xf32>
    %add3A_54 = vector.broadcast %broadcast_in_dim3A_48 : vector<64x1xf32> to vector<64x256xf32>
    %add3A_55 = vector.broadcast %broadcast_in_dim3A_53 : vector<1x256xf32> to vector<64x256xf32>
    %add3A_56 = arith.addf %add3A_54, %add3A_55 : vector<64x256xf32>
    %max3A_57 = arith.maximumf %max3A_42, %add3A_56 : vector<64x256xf32>
    %min3A_58 = arith.minimumf %min3A_43, %add3A_56 : vector<64x256xf32>
    %get3A_59 = arith.constant 0 : index
    %get3A_60 = arith.constant 4 : index
    %get3A_61 = vector.load %arg1[%get3A_59, %get3A_60] : memref<64x64xf32, #tpu.memory_space<vmem>>, vector<64x1xf32>
    %get3A_62 = vector.shape_cast %get3A_61 : vector<64x1xf32> to vector<64xf32>
    %broadcast_in_dim3A_63 = vector.shape_cast %get3A_62 : vector<64xf32> to vector<64x1xf32>
    %get3A_64 = arith.constant 4 : index
    %get3A_65 = arith.constant 0 : index
    %get3A_66 = vector.load %arg2[%get3A_64, %get3A_65] : memref<64x256xf32, #tpu.memory_space<vmem>>, vector<1x256xf32>
    %get3A_67 = vector.shape_cast %get3A_66 : vector<1x256xf32> to vector<256xf32>
    %broadcast_in_dim3A_68 = vector.shape_cast %get3A_67 : vector<256xf32> to vector<1x256xf32>
    %add3A_69 = vector.broadcast %broadcast_in_dim3A_63 : vector<64x1xf32> to vector<64x256xf32>
    %add3A_70 = vector.broadcast %broadcast_in_dim3A_68 : vector<1x256xf32> to vector<64x256xf32>
    %add3A_71 = arith.addf %add3A_69, %add3A_70 : vector<64x256xf32>
    %max3A_72 = arith.maximumf %max3A_57, %add3A_71 : vector<64x256xf32>
    %min3A_73 = arith.minimumf %min3A_58, %add3A_71 : vector<64x256xf32>
    %get3A_74 = arith.constant 0 : index
    %get3A_75 = arith.constant 5 : index
    %get3A_76 = vector.load %arg1[%get3A_74, %get3A_75] : memref<64x64xf32, #tpu.memory_space<vmem>>, vector<64x1xf32>
    %get3A_77 = vector.shape_cast %get3A_76 : vector<64x1xf32> to vector<64xf32>
    %broadcast_in_dim3A_78 = vector.shape_cast %get3A_77 : vector<64xf32> to vector<64x1xf32>
    %get3A_79 = arith.constant 5 : index
    %get3A_80 = arith.constant 0 : index
    %get3A_81 = vector.load %arg2[%get3A_79, %get3A_80] : memref<64x256xf32, #tpu.memory_space<vmem>>, vector<1x256xf32>
    %get3A_82 = vector.shape_cast %get3A_81 : vector<1x256xf32> to vector<256xf32>
    %broadcast_in_dim3A_83 = vector.shape_cast %get3A_82 : vector<256xf32> to vector<1x256xf32>
    %add3A_84 = vector.broadcast %broadcast_in_dim3A_78 : vector<64x1xf32> to vector<64x256xf32>
    %add3A_85 = vector.broadcast %broadcast_in_dim3A_83 : vector<1x256xf32> to vector<64x256xf32>
    %add3A_86 = arith.addf %add3A_84, %add3A_85 : vector<64x256xf32>
    %max3A_87 = arith.maximumf %max3A_72, %add3A_86 : vector<64x256xf32>
    %min3A_88 = arith.minimumf %min3A_73, %add3A_86 : vector<64x256xf32>
    %get3A_89 = arith.constant 0 : index
    %get3A_90 = arith.constant 6 : index
    %get3A_91 = vector.load %arg1[%get3A_89, %get3A_90] : memref<64x64xf32, #tpu.memory_space<vmem>>, vector<64x1xf32>
    %get3A_92 = vector.shape_cast %get3A_91 : vector<64x1xf32> to vector<64xf32>
    %broadcast_in_dim3A_93 = vector.shape_cast %get3A_92 : vector<64xf32> to vector<64x1xf32>
    %get3A_94 = arith.constant 6 : index
    %get3A_95 = arith.constant 0 : index
    %get3A_96 = vector.load %arg2[%get3A_94, %get3A_95] : memref<64x256xf32, #tpu.memory_space<vmem>>, vector<1x256xf32>
    %get3A_97 = vector.shape_cast %get3A_96 : vector<1x256xf32> to vector<256xf32>
    %broadcast_in_dim3A_98 = vector.shape_cast %get3A_97 : vector<256xf32> to vector<1x256xf32>
    %add3A_99 = vector.broadcast %broadcast_in_dim3A_93 : vector<64x1xf32> to vector<64x256xf32>
    %add3A_100 = vector.broadcast %broadcast_in_dim3A_98 : vector<1x256xf32> to vector<64x256xf32>
    %add3A_101 = arith.addf %add3A_99, %add3A_100 : vector<64x256xf32>
    %max3A_102 = arith.maximumf %max3A_87, %add3A_101 : vector<64x256xf32>
    %min3A_103 = arith.minimumf %min3A_88, %add3A_101 : vector<64x256xf32>
    %get3A_104 = arith.constant 0 : index
    %get3A_105 = arith.constant 7 : index
    %get3A_106 = vector.load %arg1[%get3A_104, %get3A_105] : memref<64x64xf32, #tpu.memory_space<vmem>>, vector<64x1xf32>
    %get3A_107 = vector.shape_cast %get3A_106 : vector<64x1xf32> to vector<64xf32>
    %broadcast_in_dim3A_108 = vector.shape_cast %get3A_107 : vector<64xf32> to vector<64x1xf32>
    %get3A_109 = arith.constant 7 : index
    %get3A_110 = arith.constant 0 : index
    %get3A_111 = vector.load %arg2[%get3A_109, %get3A_110] : memref<64x256xf32, #tpu.memory_space<vmem>>, vector<1x256xf32>
    %get3A_112 = vector.shape_cast %get3A_111 : vector<1x256xf32> to vector<256xf32>
    %broadcast_in_dim3A_113 = vector.shape_cast %get3A_112 : vector<256xf32> to vector<1x256xf32>
    %add3A_114 = vector.broadcast %broadcast_in_dim3A_108 : vector<64x1xf32> to vector<64x256xf32>
    %add3A_115 = vector.broadcast %broadcast_in_dim3A_113 : vector<1x256xf32> to vector<64x256xf32>
    %add3A_116 = arith.addf %add3A_114, %add3A_115 : vector<64x256xf32>
    %max3A_117 = arith.maximumf %max3A_102, %add3A_116 : vector<64x256xf32>
    %min3A_118 = arith.minimumf %min3A_103, %add3A_116 : vector<64x256xf32>
    %get3A_119 = arith.constant 0 : index
    %get3A_120 = arith.constant 8 : index
    %get3A_121 = vector.load %arg1[%get3A_119, %get3A_120] : memref<64x64xf32, #tpu.memory_space<vmem>>, vector<64x1xf32>
    %get3A_122 = vector.shape_cast %get3A_121 : vector<64x1xf32> to vector<64xf32>
    %broadcast_in_dim3A_123 = vector.shape_cast %get3A_122 : vector<64xf32> to vector<64x1xf32>
    %get3A_124 = arith.constant 8 : index
    %get3A_125 = arith.constant 0 : index
    %get3A_126 = vector.load %arg2[%get3A_124, %get3A_125] : memref<64x256xf32, #tpu.memory_space<vmem>>, vector<1x256xf32>
    %get3A_127 = vector.shape_cast %get3A_126 : vector<1x256xf32> to vector<256xf32>
    %broadcast_in_dim3A_128 = vector.shape_cast %get3A_127 : vector<256xf32> to vector<1x256xf32>
    %add3A_129 = vector.broadcast %broadcast_in_dim3A_123 : vector<64x1xf32> to vector<64x256xf32>
    %add3A_130 = vector.broadcast %broadcast_in_dim3A_128 : vector<1x256xf32> to vector<64x256xf32>
    %add3A_131 = arith.addf %add3A_129, %add3A_130 : vector<64x256xf32>
    %max3A_132 = arith.maximumf %max3A_117, %add3A_131 : vector<64x256xf32>
    %min3A_133 = arith.minimumf %min3A_118, %add3A_131 : vector<64x256xf32>
    %get3A_134 = arith.constant 0 : index
    %get3A_135 = arith.constant 9 : index
    %get3A_136 = vector.load %arg1[%get3A_134, %get3A_135] : memref<64x64xf32, #tpu.memory_space<vmem>>, vector<64x1xf32>
    %get3A_137 = vector.shape_cast %get3A_136 : vector<64x1xf32> to vector<64xf32>
    %broadcast_in_dim3A_138 = vector.shape_cast %get3A_137 : vector<64xf32> to vector<64x1xf32>
    %get3A_139 = arith.constant 9 : index
    %get3A_140 = arith.constant 0 : index
    %get3A_141 = vector.load %arg2[%get3A_139, %get3A_140] : memref<64x256xf32, #tpu.memory_space<vmem>>, vector<1x256xf32>
    %get3A_142 = vector.shape_cast %get3A_141 : vector<1x256xf32> to vector<256xf32>
    %broadcast_in_dim3A_143 = vector.shape_cast %get3A_142 : vector<256xf32> to vector<1x256xf32>
    %add3A_144 = vector.broadcast %broadcast_in_dim3A_138 : vector<64x1xf32> to vector<64x256xf32>
    %add3A_145 = vector.broadcast %broadcast_in_dim3A_143 : vector<1x256xf32> to vector<64x256xf32>
    %add3A_146 = arith.addf %add3A_144, %add3A_145 : vector<64x256xf32>
    %max3A_147 = arith.maximumf %max3A_132, %add3A_146 : vector<64x256xf32>
    %min3A_148 = arith.minimumf %min3A_133, %add3A_146 : vector<64x256xf32>
    %get3A_149 = arith.constant 0 : index
    %get3A_150 = arith.constant 10 : index
    %get3A_151 = vector.load %arg1[%get3A_149, %get3A_150] : memref<64x64xf32, #tpu.memory_space<vmem>>, vector<64x1xf32>
    %get3A_152 = vector.shape_cast %get3A_151 : vector<64x1xf32> to vector<64xf32>
    %broadcast_in_dim3A_153 = vector.shape_cast %get3A_152 : vector<64xf32> to vector<64x1xf32>
    %get3A_154 = arith.constant 10 : index
    %get3A_155 = arith.constant 0 : index
    %get3A_156 = vector.load %arg2[%get3A_154, %get3A_155] : memref<64x256xf32, #tpu.memory_space<vmem>>, vector<1x256xf32>
    %get3A_157 = vector.shape_cast %get3A_156 : vector<1x256xf32> to vector<256xf32>
    %broadcast_in_dim3A_158 = vector.shape_cast %get3A_157 : vector<256xf32> to vector<1x256xf32>
    %add3A_159 = vector.broadcast %broadcast_in_dim3A_153 : vector<64x1xf32> to vector<64x256xf32>
    %add3A_160 = vector.broadcast %broadcast_in_dim3A_158 : vector<1x256xf32> to vector<64x256xf32>
    %add3A_161 = arith.addf %add3A_159, %add3A_160 : vector<64x256xf32>
    %max3A_162 = arith.maximumf %max3A_147, %add3A_161 : vector<64x256xf32>
    %min3A_163 = arith.minimumf %min3A_148, %add3A_161 : vector<64x256xf32>
    %get3A_164 = arith.constant 0 : index
    %get3A_165 = arith.constant 11 : index
    %get3A_166 = vector.load %arg1[%get3A_164, %get3A_165] : memref<64x64xf32, #tpu.memory_space<vmem>>, vector<64x1xf32>
    %get3A_167 = vector.shape_cast %get3A_166 : vector<64x1xf32> to vector<64xf32>
    %broadcast_in_dim3A_168 = vector.shape_cast %get3A_167 : vector<64xf32> to vector<64x1xf32>
    %get3A_169 = arith.constant 11 : index
    %get3A_170 = arith.constant 0 : index
    %get3A_171 = vector.load %arg2[%get3A_169, %get3A_170] : memref<64x256xf32, #tpu.memory_space<vmem>>, vector<1x256xf32>
    %get3A_172 = vector.shape_cast %get3A_171 : vector<1x256xf32> to vector<256xf32>
    %broadcast_in_dim3A_173 = vector.shape_cast %get3A_172 : vector<256xf32> to vector<1x256xf32>
    %add3A_174 = vector.broadcast %broadcast_in_dim3A_168 : vector<64x1xf32> to vector<64x256xf32>
    %add3A_175 = vector.broadcast %broadcast_in_dim3A_173 : vector<1x256xf32> to vector<64x256xf32>
    %add3A_176 = arith.addf %add3A_174, %add3A_175 : vector<64x256xf32>
    %max3A_177 = arith.maximumf %max3A_162, %add3A_176 : vector<64x256xf32>
    %min3A_178 = arith.minimumf %min3A_163, %add3A_176 : vector<64x256xf32>
    %get3A_179 = arith.constant 0 : index
    %get3A_180 = arith.constant 12 : index
    %get3A_181 = vector.load %arg1[%get3A_179, %get3A_180] : memref<64x64xf32, #tpu.memory_space<vmem>>, vector<64x1xf32>
    %get3A_182 = vector.shape_cast %get3A_181 : vector<64x1xf32> to vector<64xf32>
    %broadcast_in_dim3A_183 = vector.shape_cast %get3A_182 : vector<64xf32> to vector<64x1xf32>
    %get3A_184 = arith.constant 12 : index
    %get3A_185 = arith.constant 0 : index
    %get3A_186 = vector.load %arg2[%get3A_184, %get3A_185] : memref<64x256xf32, #tpu.memory_space<vmem>>, vector<1x256xf32>
    %get3A_187 = vector.shape_cast %get3A_186 : vector<1x256xf32> to vector<256xf32>
    %broadcast_in_dim3A_188 = vector.shape_cast %get3A_187 : vector<256xf32> to vector<1x256xf32>
    %add3A_189 = vector.broadcast %broadcast_in_dim3A_183 : vector<64x1xf32> to vector<64x256xf32>
    %add3A_190 = vector.broadcast %broadcast_in_dim3A_188 : vector<1x256xf32> to vector<64x256xf32>
    %add3A_191 = arith.addf %add3A_189, %add3A_190 : vector<64x256xf32>
    %max3A_192 = arith.maximumf %max3A_177, %add3A_191 : vector<64x256xf32>
    %min3A_193 = arith.minimumf %min3A_178, %add3A_191 : vector<64x256xf32>
    %get3A_194 = arith.constant 0 : index
    %get3A_195 = arith.constant 13 : index
    %get3A_196 = vector.load %arg1[%get3A_194, %get3A_195] : memref<64x64xf32, #tpu.memory_space<vmem>>, vector<64x1xf32>
    %get3A_197 = vector.shape_cast %get3A_196 : vector<64x1xf32> to vector<64xf32>
    %broadcast_in_dim3A_198 = vector.shape_cast %get3A_197 : vector<64xf32> to vector<64x1xf32>
    %get3A_199 = arith.constant 13 : index
    %get3A_200 = arith.constant 0 : index
    %get3A_201 = vector.load %arg2[%get3A_199, %get3A_200] : memref<64x256xf32, #tpu.memory_space<vmem>>, vector<1x256xf32>
    %get3A_202 = vector.shape_cast %get3A_201 : vector<1x256xf32> to vector<256xf32>
    %broadcast_in_dim3A_203 = vector.shape_cast %get3A_202 : vector<256xf32> to vector<1x256xf32>
    %add3A_204 = vector.broadcast %broadcast_in_dim3A_198 : vector<64x1xf32> to vector<64x256xf32>
    %add3A_205 = vector.broadcast %broadcast_in_dim3A_203 : vector<1x256xf32> to vector<64x256xf32>
    %add3A_206 = arith.addf %add3A_204, %add3A_205 : vector<64x256xf32>
    %max3A_207 = arith.maximumf %max3A_192, %add3A_206 : vector<64x256xf32>
    %min3A_208 = arith.minimumf %min3A_193, %add3A_206 : vector<64x256xf32>
    %get3A_209 = arith.constant 0 : index
    %get3A_210 = arith.constant 14 : index
    %get3A_211 = vector.load %arg1[%get3A_209, %get3A_210] : memref<64x64xf32, #tpu.memory_space<vmem>>, vector<64x1xf32>
    %get3A_212 = vector.shape_cast %get3A_211 : vector<64x1xf32> to vector<64xf32>
    %broadcast_in_dim3A_213 = vector.shape_cast %get3A_212 : vector<64xf32> to vector<64x1xf32>
    %get3A_214 = arith.constant 14 : index
    %get3A_215 = arith.constant 0 : index
    %get3A_216 = vector.load %arg2[%get3A_214, %get3A_215] : memref<64x256xf32, #tpu.memory_space<vmem>>, vector<1x256xf32>
    %get3A_217 = vector.shape_cast %get3A_216 : vector<1x256xf32> to vector<256xf32>
    %broadcast_in_dim3A_218 = vector.shape_cast %get3A_217 : vector<256xf32> to vector<1x256xf32>
    %add3A_219 = vector.broadcast %broadcast_in_dim3A_213 : vector<64x1xf32> to vector<64x256xf32>
    %add3A_220 = vector.broadcast %broadcast_in_dim3A_218 : vector<1x256xf32> to vector<64x256xf32>
    %add3A_221 = arith.addf %add3A_219, %add3A_220 : vector<64x256xf32>
    %max3A_222 = arith.maximumf %max3A_207, %add3A_221 : vector<64x256xf32>
    %min3A_223 = arith.minimumf %min3A_208, %add3A_221 : vector<64x256xf32>
    %get3A_224 = arith.constant 0 : index
    %get3A_225 = arith.constant 15 : index
    %get3A_226 = vector.load %arg1[%get3A_224, %get3A_225] : memref<64x64xf32, #tpu.memory_space<vmem>>, vector<64x1xf32>
    %get3A_227 = vector.shape_cast %get3A_226 : vector<64x1xf32> to vector<64xf32>
    %broadcast_in_dim3A_228 = vector.shape_cast %get3A_227 : vector<64xf32> to vector<64x1xf32>
    %get3A_229 = arith.constant 15 : index
    %get3A_230 = arith.constant 0 : index
    %get3A_231 = vector.load %arg2[%get3A_229, %get3A_230] : memref<64x256xf32, #tpu.memory_space<vmem>>, vector<1x256xf32>
    %get3A_232 = vector.shape_cast %get3A_231 : vector<1x256xf32> to vector<256xf32>
    %broadcast_in_dim3A_233 = vector.shape_cast %get3A_232 : vector<256xf32> to vector<1x256xf32>
    %add3A_234 = vector.broadcast %broadcast_in_dim3A_228 : vector<64x1xf32> to vector<64x256xf32>
    %add3A_235 = vector.broadcast %broadcast_in_dim3A_233 : vector<1x256xf32> to vector<64x256xf32>
    %add3A_236 = arith.addf %add3A_234, %add3A_235 : vector<64x256xf32>
    %max3A_237 = arith.maximumf %max3A_222, %add3A_236 : vector<64x256xf32>
    %min3A_238 = arith.minimumf %min3A_223, %add3A_236 : vector<64x256xf32>
    %get3A_239 = arith.constant 0 : index
    %get3A_240 = arith.constant 16 : index
    %get3A_241 = vector.load %arg1[%get3A_239, %get3A_240] : memref<64x64xf32, #tpu.memory_space<vmem>>, vector<64x1xf32>
    %get3A_242 = vector.shape_cast %get3A_241 : vector<64x1xf32> to vector<64xf32>
    %broadcast_in_dim3A_243 = vector.shape_cast %get3A_242 : vector<64xf32> to vector<64x1xf32>
    %get3A_244 = arith.constant 16 : index
    %get3A_245 = arith.constant 0 : index
    %get3A_246 = vector.load %arg2[%get3A_244, %get3A_245] : memref<64x256xf32, #tpu.memory_space<vmem>>, vector<1x256xf32>
    %get3A_247 = vector.shape_cast %get3A_246 : vector<1x256xf32> to vector<256xf32>
    %broadcast_in_dim3A_248 = vector.shape_cast %get3A_247 : vector<256xf32> to vector<1x256xf32>
    %add3A_249 = vector.broadcast %broadcast_in_dim3A_243 : vector<64x1xf32> to vector<64x256xf32>
    %add3A_250 = vector.broadcast %broadcast_in_dim3A_248 : vector<1x256xf32> to vector<64x256xf32>
    %add3A_251 = arith.addf %add3A_249, %add3A_250 : vector<64x256xf32>
    %max3A_252 = arith.maximumf %max3A_237, %add3A_251 : vector<64x256xf32>
    %min3A_253 = arith.minimumf %min3A_238, %add3A_251 : vector<64x256xf32>
    %get3A_254 = arith.constant 0 : index
    %get3A_255 = arith.constant 17 : index
    %get3A_256 = vector.load %arg1[%get3A_254, %get3A_255] : memref<64x64xf32, #tpu.memory_space<vmem>>, vector<64x1xf32>
    %get3A_257 = vector.shape_cast %get3A_256 : vector<64x1xf32> to vector<64xf32>
    %broadcast_in_dim3A_258 = vector.shape_cast %get3A_257 : vector<64xf32> to vector<64x1xf32>
    %get3A_259 = arith.constant 17 : index
    %get3A_260 = arith.constant 0 : index
    %get3A_261 = vector.load %arg2[%get3A_259, %get3A_260] : memref<64x256xf32, #tpu.memory_space<vmem>>, vector<1x256xf32>
    %get3A_262 = vector.shape_cast %get3A_261 : vector<1x256xf32> to vector<256xf32>
    %broadcast_in_dim3A_263 = vector.shape_cast %get3A_262 : vector<256xf32> to vector<1x256xf32>
    %add3A_264 = vector.broadcast %broadcast_in_dim3A_258 : vector<64x1xf32> to vector<64x256xf32>
    %add3A_265 = vector.broadcast %broadcast_in_dim3A_263 : vector<1x256xf32> to vector<64x256xf32>
    %add3A_266 = arith.addf %add3A_264, %add3A_265 : vector<64x256xf32>
    %max3A_267 = arith.maximumf %max3A_252, %add3A_266 : vector<64x256xf32>
    %min3A_268 = arith.minimumf %min3A_253, %add3A_266 : vector<64x256xf32>
    %get3A_269 = arith.constant 0 : index
    %get3A_270 = arith.constant 18 : index
    %get3A_271 = vector.load %arg1[%get3A_269, %get3A_270] : memref<64x64xf32, #tpu.memory_space<vmem>>, vector<64x1xf32>
    %get3A_272 = vector.shape_cast %get3A_271 : vector<64x1xf32> to vector<64xf32>
    %broadcast_in_dim3A_273 = vector.shape_cast %get3A_272 : vector<64xf32> to vector<64x1xf32>
    %get3A_274 = arith.constant 18 : index
    %get3A_275 = arith.constant 0 : index
    %get3A_276 = vector.load %arg2[%get3A_274, %get3A_275] : memref<64x256xf32, #tpu.memory_space<vmem>>, vector<1x256xf32>
    %get3A_277 = vector.shape_cast %get3A_276 : vector<1x256xf32> to vector<256xf32>
    %broadcast_in_dim3A_278 = vector.shape_cast %get3A_277 : vector<256xf32> to vector<1x256xf32>
    %add3A_279 = vector.broadcast %broadcast_in_dim3A_273 : vector<64x1xf32> to vector<64x256xf32>
    %add3A_280 = vector.broadcast %broadcast_in_dim3A_278 : vector<1x256xf32> to vector<64x256xf32>
    %add3A_281 = arith.addf %add3A_279, %add3A_280 : vector<64x256xf32>
    %max3A_282 = arith.maximumf %max3A_267, %add3A_281 : vector<64x256xf32>
    %min3A_283 = arith.minimumf %min3A_268, %add3A_281 : vector<64x256xf32>
    %get3A_284 = arith.constant 0 : index
    %get3A_285 = arith.constant 19 : index
    %get3A_286 = vector.load %arg1[%get3A_284, %get3A_285] : memref<64x64xf32, #tpu.memory_space<vmem>>, vector<64x1xf32>
    %get3A_287 = vector.shape_cast %get3A_286 : vector<64x1xf32> to vector<64xf32>
    %broadcast_in_dim3A_288 = vector.shape_cast %get3A_287 : vector<64xf32> to vector<64x1xf32>
    %get3A_289 = arith.constant 19 : index
    %get3A_290 = arith.constant 0 : index
    %get3A_291 = vector.load %arg2[%get3A_289, %get3A_290] : memref<64x256xf32, #tpu.memory_space<vmem>>, vector<1x256xf32>
    %get3A_292 = vector.shape_cast %get3A_291 : vector<1x256xf32> to vector<256xf32>
    %broadcast_in_dim3A_293 = vector.shape_cast %get3A_292 : vector<256xf32> to vector<1x256xf32>
    %add3A_294 = vector.broadcast %broadcast_in_dim3A_288 : vector<64x1xf32> to vector<64x256xf32>
    %add3A_295 = vector.broadcast %broadcast_in_dim3A_293 : vector<1x256xf32> to vector<64x256xf32>
    %add3A_296 = arith.addf %add3A_294, %add3A_295 : vector<64x256xf32>
    %max3A_297 = arith.maximumf %max3A_282, %add3A_296 : vector<64x256xf32>
    %min3A_298 = arith.minimumf %min3A_283, %add3A_296 : vector<64x256xf32>
    %get3A_299 = arith.constant 0 : index
    %get3A_300 = arith.constant 20 : index
    %get3A_301 = vector.load %arg1[%get3A_299, %get3A_300] : memref<64x64xf32, #tpu.memory_space<vmem>>, vector<64x1xf32>
    %get3A_302 = vector.shape_cast %get3A_301 : vector<64x1xf32> to vector<64xf32>
    %broadcast_in_dim3A_303 = vector.shape_cast %get3A_302 : vector<64xf32> to vector<64x1xf32>
    %get3A_304 = arith.constant 20 : index
    %get3A_305 = arith.constant 0 : index
    %get3A_306 = vector.load %arg2[%get3A_304, %get3A_305] : memref<64x256xf32, #tpu.memory_space<vmem>>, vector<1x256xf32>
    %get3A_307 = vector.shape_cast %get3A_306 : vector<1x256xf32> to vector<256xf32>
    %broadcast_in_dim3A_308 = vector.shape_cast %get3A_307 : vector<256xf32> to vector<1x256xf32>
    %add3A_309 = vector.broadcast %broadcast_in_dim3A_303 : vector<64x1xf32> to vector<64x256xf32>
    %add3A_310 = vector.broadcast %broadcast_in_dim3A_308 : vector<1x256xf32> to vector<64x256xf32>
    %add3A_311 = arith.addf %add3A_309, %add3A_310 : vector<64x256xf32>
    %max3A_312 = arith.maximumf %max3A_297, %add3A_311 : vector<64x256xf32>
    %min3A_313 = arith.minimumf %min3A_298, %add3A_311 : vector<64x256xf32>
    %get3A_314 = arith.constant 0 : index
    %get3A_315 = arith.constant 21 : index
    %get3A_316 = vector.load %arg1[%get3A_314, %get3A_315] : memref<64x64xf32, #tpu.memory_space<vmem>>, vector<64x1xf32>
    %get3A_317 = vector.shape_cast %get3A_316 : vector<64x1xf32> to vector<64xf32>
    %broadcast_in_dim3A_318 = vector.shape_cast %get3A_317 : vector<64xf32> to vector<64x1xf32>
    %get3A_319 = arith.constant 21 : index
    %get3A_320 = arith.constant 0 : index
    %get3A_321 = vector.load %arg2[%get3A_319, %get3A_320] : memref<64x256xf32, #tpu.memory_space<vmem>>, vector<1x256xf32>
    %get3A_322 = vector.shape_cast %get3A_321 : vector<1x256xf32> to vector<256xf32>
    %broadcast_in_dim3A_323 = vector.shape_cast %get3A_322 : vector<256xf32> to vector<1x256xf32>
    %add3A_324 = vector.broadcast %broadcast_in_dim3A_318 : vector<64x1xf32> to vector<64x256xf32>
    %add3A_325 = vector.broadcast %broadcast_in_dim3A_323 : vector<1x256xf32> to vector<64x256xf32>
    %add3A_326 = arith.addf %add3A_324, %add3A_325 : vector<64x256xf32>
    %max3A_327 = arith.maximumf %max3A_312, %add3A_326 : vector<64x256xf32>
    %min3A_328 = arith.minimumf %min3A_313, %add3A_326 : vector<64x256xf32>
    %get3A_329 = arith.constant 0 : index
    %get3A_330 = arith.constant 22 : index
    %get3A_331 = vector.load %arg1[%get3A_329, %get3A_330] : memref<64x64xf32, #tpu.memory_space<vmem>>, vector<64x1xf32>
    %get3A_332 = vector.shape_cast %get3A_331 : vector<64x1xf32> to vector<64xf32>
    %broadcast_in_dim3A_333 = vector.shape_cast %get3A_332 : vector<64xf32> to vector<64x1xf32>
    %get3A_334 = arith.constant 22 : index
    %get3A_335 = arith.constant 0 : index
    %get3A_336 = vector.load %arg2[%get3A_334, %get3A_335] : memref<64x256xf32, #tpu.memory_space<vmem>>, vector<1x256xf32>
    %get3A_337 = vector.shape_cast %get3A_336 : vector<1x256xf32> to vector<256xf32>
    %broadcast_in_dim3A_338 = vector.shape_cast %get3A_337 : vector<256xf32> to vector<1x256xf32>
    %add3A_339 = vector.broadcast %broadcast_in_dim3A_333 : vector<64x1xf32> to vector<64x256xf32>
    %add3A_340 = vector.broadcast %broadcast_in_dim3A_338 : vector<1x256xf32> to vector<64x256xf32>
    %add3A_341 = arith.addf %add3A_339, %add3A_340 : vector<64x256xf32>
    %max3A_342 = arith.maximumf %max3A_327, %add3A_341 : vector<64x256xf32>
    %min3A_343 = arith.minimumf %min3A_328, %add3A_341 : vector<64x256xf32>
    %get3A_344 = arith.constant 0 : index
    %get3A_345 = arith.constant 23 : index
    %get3A_346 = vector.load %arg1[%get3A_344, %get3A_345] : memref<64x64xf32, #tpu.memory_space<vmem>>, vector<64x1xf32>
    %get3A_347 = vector.shape_cast %get3A_346 : vector<64x1xf32> to vector<64xf32>
    %broadcast_in_dim3A_348 = vector.shape_cast %get3A_347 : vector<64xf32> to vector<64x1xf32>
    %get3A_349 = arith.constant 23 : index
    %get3A_350 = arith.constant 0 : index
    %get3A_351 = vector.load %arg2[%get3A_349, %get3A_350] : memref<64x256xf32, #tpu.memory_space<vmem>>, vector<1x256xf32>
    %get3A_352 = vector.shape_cast %get3A_351 : vector<1x256xf32> to vector<256xf32>
    %broadcast_in_dim3A_353 = vector.shape_cast %get3A_352 : vector<256xf32> to vector<1x256xf32>
    %add3A_354 = vector.broadcast %broadcast_in_dim3A_348 : vector<64x1xf32> to vector<64x256xf32>
    %add3A_355 = vector.broadcast %broadcast_in_dim3A_353 : vector<1x256xf32> to vector<64x256xf32>
    %add3A_356 = arith.addf %add3A_354, %add3A_355 : vector<64x256xf32>
    %max3A_357 = arith.maximumf %max3A_342, %add3A_356 : vector<64x256xf32>
    %min3A_358 = arith.minimumf %min3A_343, %add3A_356 : vector<64x256xf32>
    %get3A_359 = arith.constant 0 : index
    %get3A_360 = arith.constant 24 : index
    %get3A_361 = vector.load %arg1[%get3A_359, %get3A_360] : memref<64x64xf32, #tpu.memory_space<vmem>>, vector<64x1xf32>
    %get3A_362 = vector.shape_cast %get3A_361 : vector<64x1xf32> to vector<64xf32>
    %broadcast_in_dim3A_363 = vector.shape_cast %get3A_362 : vector<64xf32> to vector<64x1xf32>
    %get3A_364 = arith.constant 24 : index
    %get3A_365 = arith.constant 0 : index
    %get3A_366 = vector.load %arg2[%get3A_364, %get3A_365] : memref<64x256xf32, #tpu.memory_space<vmem>>, vector<1x256xf32>
    %get3A_367 = vector.shape_cast %get3A_366 : vector<1x256xf32> to vector<256xf32>
    %broadcast_in_dim3A_368 = vector.shape_cast %get3A_367 : vector<256xf32> to vector<1x256xf32>
    %add3A_369 = vector.broadcast %broadcast_in_dim3A_363 : vector<64x1xf32> to vector<64x256xf32>
    %add3A_370 = vector.broadcast %broadcast_in_dim3A_368 : vector<1x256xf32> to vector<64x256xf32>
    %add3A_371 = arith.addf %add3A_369, %add3A_370 : vector<64x256xf32>
    %max3A_372 = arith.maximumf %max3A_357, %add3A_371 : vector<64x256xf32>
    %min3A_373 = arith.minimumf %min3A_358, %add3A_371 : vector<64x256xf32>
    %get3A_374 = arith.constant 0 : index
    %get3A_375 = arith.constant 25 : index
    %get3A_376 = vector.load %arg1[%get3A_374, %get3A_375] : memref<64x64xf32, #tpu.memory_space<vmem>>, vector<64x1xf32>
    %get3A_377 = vector.shape_cast %get3A_376 : vector<64x1xf32> to vector<64xf32>
    %broadcast_in_dim3A_378 = vector.shape_cast %get3A_377 : vector<64xf32> to vector<64x1xf32>
    %get3A_379 = arith.constant 25 : index
    %get3A_380 = arith.constant 0 : index
    %get3A_381 = vector.load %arg2[%get3A_379, %get3A_380] : memref<64x256xf32, #tpu.memory_space<vmem>>, vector<1x256xf32>
    %get3A_382 = vector.shape_cast %get3A_381 : vector<1x256xf32> to vector<256xf32>
    %broadcast_in_dim3A_383 = vector.shape_cast %get3A_382 : vector<256xf32> to vector<1x256xf32>
    %add3A_384 = vector.broadcast %broadcast_in_dim3A_378 : vector<64x1xf32> to vector<64x256xf32>
    %add3A_385 = vector.broadcast %broadcast_in_dim3A_383 : vector<1x256xf32> to vector<64x256xf32>
    %add3A_386 = arith.addf %add3A_384, %add3A_385 : vector<64x256xf32>
    %max3A_387 = arith.maximumf %max3A_372, %add3A_386 : vector<64x256xf32>
    %min3A_388 = arith.minimumf %min3A_373, %add3A_386 : vector<64x256xf32>
    %get3A_389 = arith.constant 0 : index
    %get3A_390 = arith.constant 26 : index
    %get3A_391 = vector.load %arg1[%get3A_389, %get3A_390] : memref<64x64xf32, #tpu.memory_space<vmem>>, vector<64x1xf32>
    %get3A_392 = vector.shape_cast %get3A_391 : vector<64x1xf32> to vector<64xf32>
    %broadcast_in_dim3A_393 = vector.shape_cast %get3A_392 : vector<64xf32> to vector<64x1xf32>
    %get3A_394 = arith.constant 26 : index
    %get3A_395 = arith.constant 0 : index
    %get3A_396 = vector.load %arg2[%get3A_394, %get3A_395] : memref<64x256xf32, #tpu.memory_space<vmem>>, vector<1x256xf32>
    %get3A_397 = vector.shape_cast %get3A_396 : vector<1x256xf32> to vector<256xf32>
    %broadcast_in_dim3A_398 = vector.shape_cast %get3A_397 : vector<256xf32> to vector<1x256xf32>
    %add3A_399 = vector.broadcast %broadcast_in_dim3A_393 : vector<64x1xf32> to vector<64x256xf32>
    %add3A_400 = vector.broadcast %broadcast_in_dim3A_398 : vector<1x256xf32> to vector<64x256xf32>
    %add3A_401 = arith.addf %add3A_399, %add3A_400 : vector<64x256xf32>
    %max3A_402 = arith.maximumf %max3A_387, %add3A_401 : vector<64x256xf32>
    %min3A_403 = arith.minimumf %min3A_388, %add3A_401 : vector<64x256xf32>
    %get3A_404 = arith.constant 0 : index
    %get3A_405 = arith.constant 27 : index
    %get3A_406 = vector.load %arg1[%get3A_404, %get3A_405] : memref<64x64xf32, #tpu.memory_space<vmem>>, vector<64x1xf32>
    %get3A_407 = vector.shape_cast %get3A_406 : vector<64x1xf32> to vector<64xf32>
    %broadcast_in_dim3A_408 = vector.shape_cast %get3A_407 : vector<64xf32> to vector<64x1xf32>
    %get3A_409 = arith.constant 27 : index
    %get3A_410 = arith.constant 0 : index
    %get3A_411 = vector.load %arg2[%get3A_409, %get3A_410] : memref<64x256xf32, #tpu.memory_space<vmem>>, vector<1x256xf32>
    %get3A_412 = vector.shape_cast %get3A_411 : vector<1x256xf32> to vector<256xf32>
    %broadcast_in_dim3A_413 = vector.shape_cast %get3A_412 : vector<256xf32> to vector<1x256xf32>
    %add3A_414 = vector.broadcast %broadcast_in_dim3A_408 : vector<64x1xf32> to vector<64x256xf32>
    %add3A_415 = vector.broadcast %broadcast_in_dim3A_413 : vector<1x256xf32> to vector<64x256xf32>
    %add3A_416 = arith.addf %add3A_414, %add3A_415 : vector<64x256xf32>
    %max3A_417 = arith.maximumf %max3A_402, %add3A_416 : vector<64x256xf32>
    %min3A_418 = arith.minimumf %min3A_403, %add3A_416 : vector<64x256xf32>
    %get3A_419 = arith.constant 0 : index
    %get3A_420 = arith.constant 28 : index
    %get3A_421 = vector.load %arg1[%get3A_419, %get3A_420] : memref<64x64xf32, #tpu.memory_space<vmem>>, vector<64x1xf32>
    %get3A_422 = vector.shape_cast %get3A_421 : vector<64x1xf32> to vector<64xf32>
    %broadcast_in_dim3A_423 = vector.shape_cast %get3A_422 : vector<64xf32> to vector<64x1xf32>
    %get3A_424 = arith.constant 28 : index
    %get3A_425 = arith.constant 0 : index
    %get3A_426 = vector.load %arg2[%get3A_424, %get3A_425] : memref<64x256xf32, #tpu.memory_space<vmem>>, vector<1x256xf32>
    %get3A_427 = vector.shape_cast %get3A_426 : vector<1x256xf32> to vector<256xf32>
    %broadcast_in_dim3A_428 = vector.shape_cast %get3A_427 : vector<256xf32> to vector<1x256xf32>
    %add3A_429 = vector.broadcast %broadcast_in_dim3A_423 : vector<64x1xf32> to vector<64x256xf32>
    %add3A_430 = vector.broadcast %broadcast_in_dim3A_428 : vector<1x256xf32> to vector<64x256xf32>
    %add3A_431 = arith.addf %add3A_429, %add3A_430 : vector<64x256xf32>
    %max3A_432 = arith.maximumf %max3A_417, %add3A_431 : vector<64x256xf32>
    %min3A_433 = arith.minimumf %min3A_418, %add3A_431 : vector<64x256xf32>
    %get3A_434 = arith.constant 0 : index
    %get3A_435 = arith.constant 29 : index
    %get3A_436 = vector.load %arg1[%get3A_434, %get3A_435] : memref<64x64xf32, #tpu.memory_space<vmem>>, vector<64x1xf32>
    %get3A_437 = vector.shape_cast %get3A_436 : vector<64x1xf32> to vector<64xf32>
    %broadcast_in_dim3A_438 = vector.shape_cast %get3A_437 : vector<64xf32> to vector<64x1xf32>
    %get3A_439 = arith.constant 29 : index
    %get3A_440 = arith.constant 0 : index
    %get3A_441 = vector.load %arg2[%get3A_439, %get3A_440] : memref<64x256xf32, #tpu.memory_space<vmem>>, vector<1x256xf32>
    %get3A_442 = vector.shape_cast %get3A_441 : vector<1x256xf32> to vector<256xf32>
    %broadcast_in_dim3A_443 = vector.shape_cast %get3A_442 : vector<256xf32> to vector<1x256xf32>
    %add3A_444 = vector.broadcast %broadcast_in_dim3A_438 : vector<64x1xf32> to vector<64x256xf32>
    %add3A_445 = vector.broadcast %broadcast_in_dim3A_443 : vector<1x256xf32> to vector<64x256xf32>
    %add3A_446 = arith.addf %add3A_444, %add3A_445 : vector<64x256xf32>
    %max3A_447 = arith.maximumf %max3A_432, %add3A_446 : vector<64x256xf32>
    %min3A_448 = arith.minimumf %min3A_433, %add3A_446 : vector<64x256xf32>
    %get3A_449 = arith.constant 0 : index
    %get3A_450 = arith.constant 30 : index
    %get3A_451 = vector.load %arg1[%get3A_449, %get3A_450] : memref<64x64xf32, #tpu.memory_space<vmem>>, vector<64x1xf32>
    %get3A_452 = vector.shape_cast %get3A_451 : vector<64x1xf32> to vector<64xf32>
    %broadcast_in_dim3A_453 = vector.shape_cast %get3A_452 : vector<64xf32> to vector<64x1xf32>
    %get3A_454 = arith.constant 30 : index
    %get3A_455 = arith.constant 0 : index
    %get3A_456 = vector.load %arg2[%get3A_454, %get3A_455] : memref<64x256xf32, #tpu.memory_space<vmem>>, vector<1x256xf32>
    %get3A_457 = vector.shape_cast %get3A_456 : vector<1x256xf32> to vector<256xf32>
    %broadcast_in_dim3A_458 = vector.shape_cast %get3A_457 : vector<256xf32> to vector<1x256xf32>
    %add3A_459 = vector.broadcast %broadcast_in_dim3A_453 : vector<64x1xf32> to vector<64x256xf32>
    %add3A_460 = vector.broadcast %broadcast_in_dim3A_458 : vector<1x256xf32> to vector<64x256xf32>
    %add3A_461 = arith.addf %add3A_459, %add3A_460 : vector<64x256xf32>
    %max3A_462 = arith.maximumf %max3A_447, %add3A_461 : vector<64x256xf32>
    %min3A_463 = arith.minimumf %min3A_448, %add3A_461 : vector<64x256xf32>
    %get3A_464 = arith.constant 0 : index
    %get3A_465 = arith.constant 31 : index
    %get3A_466 = vector.load %arg1[%get3A_464, %get3A_465] : memref<64x64xf32, #tpu.memory_space<vmem>>, vector<64x1xf32>
    %get3A_467 = vector.shape_cast %get3A_466 : vector<64x1xf32> to vector<64xf32>
    %broadcast_in_dim3A_468 = vector.shape_cast %get3A_467 : vector<64xf32> to vector<64x1xf32>
    %get3A_469 = arith.constant 31 : index
    %get3A_470 = arith.constant 0 : index
    %get3A_471 = vector.load %arg2[%get3A_469, %get3A_470] : memref<64x256xf32, #tpu.memory_space<vmem>>, vector<1x256xf32>
    %get3A_472 = vector.shape_cast %get3A_471 : vector<1x256xf32> to vector<256xf32>
    %broadcast_in_dim3A_473 = vector.shape_cast %get3A_472 : vector<256xf32> to vector<1x256xf32>
    %add3A_474 = vector.broadcast %broadcast_in_dim3A_468 : vector<64x1xf32> to vector<64x256xf32>
    %add3A_475 = vector.broadcast %broadcast_in_dim3A_473 : vector<1x256xf32> to vector<64x256xf32>
    %add3A_476 = arith.addf %add3A_474, %add3A_475 : vector<64x256xf32>
    %max3A_477 = arith.maximumf %max3A_462, %add3A_476 : vector<64x256xf32>
    %min3A_478 = arith.minimumf %min3A_463, %add3A_476 : vector<64x256xf32>
    %get3A_479 = arith.constant 0 : index
    %get3A_480 = arith.constant 32 : index
    %get3A_481 = vector.load %arg1[%get3A_479, %get3A_480] : memref<64x64xf32, #tpu.memory_space<vmem>>, vector<64x1xf32>
    %get3A_482 = vector.shape_cast %get3A_481 : vector<64x1xf32> to vector<64xf32>
    %broadcast_in_dim3A_483 = vector.shape_cast %get3A_482 : vector<64xf32> to vector<64x1xf32>
    %get3A_484 = arith.constant 32 : index
    %get3A_485 = arith.constant 0 : index
    %get3A_486 = vector.load %arg2[%get3A_484, %get3A_485] : memref<64x256xf32, #tpu.memory_space<vmem>>, vector<1x256xf32>
    %get3A_487 = vector.shape_cast %get3A_486 : vector<1x256xf32> to vector<256xf32>
    %broadcast_in_dim3A_488 = vector.shape_cast %get3A_487 : vector<256xf32> to vector<1x256xf32>
    %add3A_489 = vector.broadcast %broadcast_in_dim3A_483 : vector<64x1xf32> to vector<64x256xf32>
    %add3A_490 = vector.broadcast %broadcast_in_dim3A_488 : vector<1x256xf32> to vector<64x256xf32>
    %add3A_491 = arith.addf %add3A_489, %add3A_490 : vector<64x256xf32>
    %max3A_492 = arith.maximumf %max3A_477, %add3A_491 : vector<64x256xf32>
    %min3A_493 = arith.minimumf %min3A_478, %add3A_491 : vector<64x256xf32>
    %get3A_494 = arith.constant 0 : index
    %get3A_495 = arith.constant 33 : index
    %get3A_496 = vector.load %arg1[%get3A_494, %get3A_495] : memref<64x64xf32, #tpu.memory_space<vmem>>, vector<64x1xf32>
    %get3A_497 = vector.shape_cast %get3A_496 : vector<64x1xf32> to vector<64xf32>
    %broadcast_in_dim3A_498 = vector.shape_cast %get3A_497 : vector<64xf32> to vector<64x1xf32>
    %get3A_499 = arith.constant 33 : index
    %get3A_500 = arith.constant 0 : index
    %get3A_501 = vector.load %arg2[%get3A_499, %get3A_500] : memref<64x256xf32, #tpu.memory_space<vmem>>, vector<1x256xf32>
    %get3A_502 = vector.shape_cast %get3A_501 : vector<1x256xf32> to vector<256xf32>
    %broadcast_in_dim3A_503 = vector.shape_cast %get3A_502 : vector<256xf32> to vector<1x256xf32>
    %add3A_504 = vector.broadcast %broadcast_in_dim3A_498 : vector<64x1xf32> to vector<64x256xf32>
    %add3A_505 = vector.broadcast %broadcast_in_dim3A_503 : vector<1x256xf32> to vector<64x256xf32>
    %add3A_506 = arith.addf %add3A_504, %add3A_505 : vector<64x256xf32>
    %max3A_507 = arith.maximumf %max3A_492, %add3A_506 : vector<64x256xf32>
    %min3A_508 = arith.minimumf %min3A_493, %add3A_506 : vector<64x256xf32>
    %get3A_509 = arith.constant 0 : index
    %get3A_510 = arith.constant 34 : index
    %get3A_511 = vector.load %arg1[%get3A_509, %get3A_510] : memref<64x64xf32, #tpu.memory_space<vmem>>, vector<64x1xf32>
    %get3A_512 = vector.shape_cast %get3A_511 : vector<64x1xf32> to vector<64xf32>
    %broadcast_in_dim3A_513 = vector.shape_cast %get3A_512 : vector<64xf32> to vector<64x1xf32>
    %get3A_514 = arith.constant 34 : index
    %get3A_515 = arith.constant 0 : index
    %get3A_516 = vector.load %arg2[%get3A_514, %get3A_515] : memref<64x256xf32, #tpu.memory_space<vmem>>, vector<1x256xf32>
    %get3A_517 = vector.shape_cast %get3A_516 : vector<1x256xf32> to vector<256xf32>
    %broadcast_in_dim3A_518 = vector.shape_cast %get3A_517 : vector<256xf32> to vector<1x256xf32>
    %add3A_519 = vector.broadcast %broadcast_in_dim3A_513 : vector<64x1xf32> to vector<64x256xf32>
    %add3A_520 = vector.broadcast %broadcast_in_dim3A_518 : vector<1x256xf32> to vector<64x256xf32>
    %add3A_521 = arith.addf %add3A_519, %add3A_520 : vector<64x256xf32>
    %max3A_522 = arith.maximumf %max3A_507, %add3A_521 : vector<64x256xf32>
    %min3A_523 = arith.minimumf %min3A_508, %add3A_521 : vector<64x256xf32>
    %get3A_524 = arith.constant 0 : index
    %get3A_525 = arith.constant 35 : index
    %get3A_526 = vector.load %arg1[%get3A_524, %get3A_525] : memref<64x64xf32, #tpu.memory_space<vmem>>, vector<64x1xf32>
    %get3A_527 = vector.shape_cast %get3A_526 : vector<64x1xf32> to vector<64xf32>
    %broadcast_in_dim3A_528 = vector.shape_cast %get3A_527 : vector<64xf32> to vector<64x1xf32>
    %get3A_529 = arith.constant 35 : index
    %get3A_530 = arith.constant 0 : index
    %get3A_531 = vector.load %arg2[%get3A_529, %get3A_530] : memref<64x256xf32, #tpu.memory_space<vmem>>, vector<1x256xf32>
    %get3A_532 = vector.shape_cast %get3A_531 : vector<1x256xf32> to vector<256xf32>
    %broadcast_in_dim3A_533 = vector.shape_cast %get3A_532 : vector<256xf32> to vector<1x256xf32>
    %add3A_534 = vector.broadcast %broadcast_in_dim3A_528 : vector<64x1xf32> to vector<64x256xf32>
    %add3A_535 = vector.broadcast %broadcast_in_dim3A_533 : vector<1x256xf32> to vector<64x256xf32>
    %add3A_536 = arith.addf %add3A_534, %add3A_535 : vector<64x256xf32>
    %max3A_537 = arith.maximumf %max3A_522, %add3A_536 : vector<64x256xf32>
    %min3A_538 = arith.minimumf %min3A_523, %add3A_536 : vector<64x256xf32>
    %get3A_539 = arith.constant 0 : index
    %get3A_540 = arith.constant 36 : index
    %get3A_541 = vector.load %arg1[%get3A_539, %get3A_540] : memref<64x64xf32, #tpu.memory_space<vmem>>, vector<64x1xf32>
    %get3A_542 = vector.shape_cast %get3A_541 : vector<64x1xf32> to vector<64xf32>
    %broadcast_in_dim3A_543 = vector.shape_cast %get3A_542 : vector<64xf32> to vector<64x1xf32>
    %get3A_544 = arith.constant 36 : index
    %get3A_545 = arith.constant 0 : index
    %get3A_546 = vector.load %arg2[%get3A_544, %get3A_545] : memref<64x256xf32, #tpu.memory_space<vmem>>, vector<1x256xf32>
    %get3A_547 = vector.shape_cast %get3A_546 : vector<1x256xf32> to vector<256xf32>
    %broadcast_in_dim3A_548 = vector.shape_cast %get3A_547 : vector<256xf32> to vector<1x256xf32>
    %add3A_549 = vector.broadcast %broadcast_in_dim3A_543 : vector<64x1xf32> to vector<64x256xf32>
    %add3A_550 = vector.broadcast %broadcast_in_dim3A_548 : vector<1x256xf32> to vector<64x256xf32>
    %add3A_551 = arith.addf %add3A_549, %add3A_550 : vector<64x256xf32>
    %max3A_552 = arith.maximumf %max3A_537, %add3A_551 : vector<64x256xf32>
    %min3A_553 = arith.minimumf %min3A_538, %add3A_551 : vector<64x256xf32>
    %get3A_554 = arith.constant 0 : index
    %get3A_555 = arith.constant 37 : index
    %get3A_556 = vector.load %arg1[%get3A_554, %get3A_555] : memref<64x64xf32, #tpu.memory_space<vmem>>, vector<64x1xf32>
    %get3A_557 = vector.shape_cast %get3A_556 : vector<64x1xf32> to vector<64xf32>
    %broadcast_in_dim3A_558 = vector.shape_cast %get3A_557 : vector<64xf32> to vector<64x1xf32>
    %get3A_559 = arith.constant 37 : index
    %get3A_560 = arith.constant 0 : index
    %get3A_561 = vector.load %arg2[%get3A_559, %get3A_560] : memref<64x256xf32, #tpu.memory_space<vmem>>, vector<1x256xf32>
    %get3A_562 = vector.shape_cast %get3A_561 : vector<1x256xf32> to vector<256xf32>
    %broadcast_in_dim3A_563 = vector.shape_cast %get3A_562 : vector<256xf32> to vector<1x256xf32>
    %add3A_564 = vector.broadcast %broadcast_in_dim3A_558 : vector<64x1xf32> to vector<64x256xf32>
    %add3A_565 = vector.broadcast %broadcast_in_dim3A_563 : vector<1x256xf32> to vector<64x256xf32>
    %add3A_566 = arith.addf %add3A_564, %add3A_565 : vector<64x256xf32>
    %max3A_567 = arith.maximumf %max3A_552, %add3A_566 : vector<64x256xf32>
    %min3A_568 = arith.minimumf %min3A_553, %add3A_566 : vector<64x256xf32>
    %get3A_569 = arith.constant 0 : index
    %get3A_570 = arith.constant 38 : index
    %get3A_571 = vector.load %arg1[%get3A_569, %get3A_570] : memref<64x64xf32, #tpu.memory_space<vmem>>, vector<64x1xf32>
    %get3A_572 = vector.shape_cast %get3A_571 : vector<64x1xf32> to vector<64xf32>
    %broadcast_in_dim3A_573 = vector.shape_cast %get3A_572 : vector<64xf32> to vector<64x1xf32>
    %get3A_574 = arith.constant 38 : index
    %get3A_575 = arith.constant 0 : index
    %get3A_576 = vector.load %arg2[%get3A_574, %get3A_575] : memref<64x256xf32, #tpu.memory_space<vmem>>, vector<1x256xf32>
    %get3A_577 = vector.shape_cast %get3A_576 : vector<1x256xf32> to vector<256xf32>
    %broadcast_in_dim3A_578 = vector.shape_cast %get3A_577 : vector<256xf32> to vector<1x256xf32>
    %add3A_579 = vector.broadcast %broadcast_in_dim3A_573 : vector<64x1xf32> to vector<64x256xf32>
    %add3A_580 = vector.broadcast %broadcast_in_dim3A_578 : vector<1x256xf32> to vector<64x256xf32>
    %add3A_581 = arith.addf %add3A_579, %add3A_580 : vector<64x256xf32>
    %max3A_582 = arith.maximumf %max3A_567, %add3A_581 : vector<64x256xf32>
    %min3A_583 = arith.minimumf %min3A_568, %add3A_581 : vector<64x256xf32>
    %get3A_584 = arith.constant 0 : index
    %get3A_585 = arith.constant 39 : index
    %get3A_586 = vector.load %arg1[%get3A_584, %get3A_585] : memref<64x64xf32, #tpu.memory_space<vmem>>, vector<64x1xf32>
    %get3A_587 = vector.shape_cast %get3A_586 : vector<64x1xf32> to vector<64xf32>
    %broadcast_in_dim3A_588 = vector.shape_cast %get3A_587 : vector<64xf32> to vector<64x1xf32>
    %get3A_589 = arith.constant 39 : index
    %get3A_590 = arith.constant 0 : index
    %get3A_591 = vector.load %arg2[%get3A_589, %get3A_590] : memref<64x256xf32, #tpu.memory_space<vmem>>, vector<1x256xf32>
    %get3A_592 = vector.shape_cast %get3A_591 : vector<1x256xf32> to vector<256xf32>
    %broadcast_in_dim3A_593 = vector.shape_cast %get3A_592 : vector<256xf32> to vector<1x256xf32>
    %add3A_594 = vector.broadcast %broadcast_in_dim3A_588 : vector<64x1xf32> to vector<64x256xf32>
    %add3A_595 = vector.broadcast %broadcast_in_dim3A_593 : vector<1x256xf32> to vector<64x256xf32>
    %add3A_596 = arith.addf %add3A_594, %add3A_595 : vector<64x256xf32>
    %max3A_597 = arith.maximumf %max3A_582, %add3A_596 : vector<64x256xf32>
    %min3A_598 = arith.minimumf %min3A_583, %add3A_596 : vector<64x256xf32>
    %get3A_599 = arith.constant 0 : index
    %get3A_600 = arith.constant 40 : index
    %get3A_601 = vector.load %arg1[%get3A_599, %get3A_600] : memref<64x64xf32, #tpu.memory_space<vmem>>, vector<64x1xf32>
    %get3A_602 = vector.shape_cast %get3A_601 : vector<64x1xf32> to vector<64xf32>
    %broadcast_in_dim3A_603 = vector.shape_cast %get3A_602 : vector<64xf32> to vector<64x1xf32>
    %get3A_604 = arith.constant 40 : index
    %get3A_605 = arith.constant 0 : index
    %get3A_606 = vector.load %arg2[%get3A_604, %get3A_605] : memref<64x256xf32, #tpu.memory_space<vmem>>, vector<1x256xf32>
    %get3A_607 = vector.shape_cast %get3A_606 : vector<1x256xf32> to vector<256xf32>
    %broadcast_in_dim3A_608 = vector.shape_cast %get3A_607 : vector<256xf32> to vector<1x256xf32>
    %add3A_609 = vector.broadcast %broadcast_in_dim3A_603 : vector<64x1xf32> to vector<64x256xf32>
    %add3A_610 = vector.broadcast %broadcast_in_dim3A_608 : vector<1x256xf32> to vector<64x256xf32>
    %add3A_611 = arith.addf %add3A_609, %add3A_610 : vector<64x256xf32>
    %max3A_612 = arith.maximumf %max3A_597, %add3A_611 : vector<64x256xf32>
    %min3A_613 = arith.minimumf %min3A_598, %add3A_611 : vector<64x256xf32>
    %get3A_614 = arith.constant 0 : index
    %get3A_615 = arith.constant 41 : index
    %get3A_616 = vector.load %arg1[%get3A_614, %get3A_615] : memref<64x64xf32, #tpu.memory_space<vmem>>, vector<64x1xf32>
    %get3A_617 = vector.shape_cast %get3A_616 : vector<64x1xf32> to vector<64xf32>
    %broadcast_in_dim3A_618 = vector.shape_cast %get3A_617 : vector<64xf32> to vector<64x1xf32>
    %get3A_619 = arith.constant 41 : index
    %get3A_620 = arith.constant 0 : index
    %get3A_621 = vector.load %arg2[%get3A_619, %get3A_620] : memref<64x256xf32, #tpu.memory_space<vmem>>, vector<1x256xf32>
    %get3A_622 = vector.shape_cast %get3A_621 : vector<1x256xf32> to vector<256xf32>
    %broadcast_in_dim3A_623 = vector.shape_cast %get3A_622 : vector<256xf32> to vector<1x256xf32>
    %add3A_624 = vector.broadcast %broadcast_in_dim3A_618 : vector<64x1xf32> to vector<64x256xf32>
    %add3A_625 = vector.broadcast %broadcast_in_dim3A_623 : vector<1x256xf32> to vector<64x256xf32>
    %add3A_626 = arith.addf %add3A_624, %add3A_625 : vector<64x256xf32>
    %max3A_627 = arith.maximumf %max3A_612, %add3A_626 : vector<64x256xf32>
    %min3A_628 = arith.minimumf %min3A_613, %add3A_626 : vector<64x256xf32>
    %get3A_629 = arith.constant 0 : index
    %get3A_630 = arith.constant 42 : index
    %get3A_631 = vector.load %arg1[%get3A_629, %get3A_630] : memref<64x64xf32, #tpu.memory_space<vmem>>, vector<64x1xf32>
    %get3A_632 = vector.shape_cast %get3A_631 : vector<64x1xf32> to vector<64xf32>
    %broadcast_in_dim3A_633 = vector.shape_cast %get3A_632 : vector<64xf32> to vector<64x1xf32>
    %get3A_634 = arith.constant 42 : index
    %get3A_635 = arith.constant 0 : index
    %get3A_636 = vector.load %arg2[%get3A_634, %get3A_635] : memref<64x256xf32, #tpu.memory_space<vmem>>, vector<1x256xf32>
    %get3A_637 = vector.shape_cast %get3A_636 : vector<1x256xf32> to vector<256xf32>
    %broadcast_in_dim3A_638 = vector.shape_cast %get3A_637 : vector<256xf32> to vector<1x256xf32>
    %add3A_639 = vector.broadcast %broadcast_in_dim3A_633 : vector<64x1xf32> to vector<64x256xf32>
    %add3A_640 = vector.broadcast %broadcast_in_dim3A_638 : vector<1x256xf32> to vector<64x256xf32>
    %add3A_641 = arith.addf %add3A_639, %add3A_640 : vector<64x256xf32>
    %max3A_642 = arith.maximumf %max3A_627, %add3A_641 : vector<64x256xf32>
    %min3A_643 = arith.minimumf %min3A_628, %add3A_641 : vector<64x256xf32>
    %get3A_644 = arith.constant 0 : index
    %get3A_645 = arith.constant 43 : index
    %get3A_646 = vector.load %arg1[%get3A_644, %get3A_645] : memref<64x64xf32, #tpu.memory_space<vmem>>, vector<64x1xf32>
    %get3A_647 = vector.shape_cast %get3A_646 : vector<64x1xf32> to vector<64xf32>
    %broadcast_in_dim3A_648 = vector.shape_cast %get3A_647 : vector<64xf32> to vector<64x1xf32>
    %get3A_649 = arith.constant 43 : index
    %get3A_650 = arith.constant 0 : index
    %get3A_651 = vector.load %arg2[%get3A_649, %get3A_650] : memref<64x256xf32, #tpu.memory_space<vmem>>, vector<1x256xf32>
    %get3A_652 = vector.shape_cast %get3A_651 : vector<1x256xf32> to vector<256xf32>
    %broadcast_in_dim3A_653 = vector.shape_cast %get3A_652 : vector<256xf32> to vector<1x256xf32>
    %add3A_654 = vector.broadcast %broadcast_in_dim3A_648 : vector<64x1xf32> to vector<64x256xf32>
    %add3A_655 = vector.broadcast %broadcast_in_dim3A_653 : vector<1x256xf32> to vector<64x256xf32>
    %add3A_656 = arith.addf %add3A_654, %add3A_655 : vector<64x256xf32>
    %max3A_657 = arith.maximumf %max3A_642, %add3A_656 : vector<64x256xf32>
    %min3A_658 = arith.minimumf %min3A_643, %add3A_656 : vector<64x256xf32>
    %get3A_659 = arith.constant 0 : index
    %get3A_660 = arith.constant 44 : index
    %get3A_661 = vector.load %arg1[%get3A_659, %get3A_660] : memref<64x64xf32, #tpu.memory_space<vmem>>, vector<64x1xf32>
    %get3A_662 = vector.shape_cast %get3A_661 : vector<64x1xf32> to vector<64xf32>
    %broadcast_in_dim3A_663 = vector.shape_cast %get3A_662 : vector<64xf32> to vector<64x1xf32>
    %get3A_664 = arith.constant 44 : index
    %get3A_665 = arith.constant 0 : index
    %get3A_666 = vector.load %arg2[%get3A_664, %get3A_665] : memref<64x256xf32, #tpu.memory_space<vmem>>, vector<1x256xf32>
    %get3A_667 = vector.shape_cast %get3A_666 : vector<1x256xf32> to vector<256xf32>
    %broadcast_in_dim3A_668 = vector.shape_cast %get3A_667 : vector<256xf32> to vector<1x256xf32>
    %add3A_669 = vector.broadcast %broadcast_in_dim3A_663 : vector<64x1xf32> to vector<64x256xf32>
    %add3A_670 = vector.broadcast %broadcast_in_dim3A_668 : vector<1x256xf32> to vector<64x256xf32>
    %add3A_671 = arith.addf %add3A_669, %add3A_670 : vector<64x256xf32>
    %max3A_672 = arith.maximumf %max3A_657, %add3A_671 : vector<64x256xf32>
    %min3A_673 = arith.minimumf %min3A_658, %add3A_671 : vector<64x256xf32>
    %get3A_674 = arith.constant 0 : index
    %get3A_675 = arith.constant 45 : index
    %get3A_676 = vector.load %arg1[%get3A_674, %get3A_675] : memref<64x64xf32, #tpu.memory_space<vmem>>, vector<64x1xf32>
    %get3A_677 = vector.shape_cast %get3A_676 : vector<64x1xf32> to vector<64xf32>
    %broadcast_in_dim3A_678 = vector.shape_cast %get3A_677 : vector<64xf32> to vector<64x1xf32>
    %get3A_679 = arith.constant 45 : index
    %get3A_680 = arith.constant 0 : index
    %get3A_681 = vector.load %arg2[%get3A_679, %get3A_680] : memref<64x256xf32, #tpu.memory_space<vmem>>, vector<1x256xf32>
    %get3A_682 = vector.shape_cast %get3A_681 : vector<1x256xf32> to vector<256xf32>
    %broadcast_in_dim3A_683 = vector.shape_cast %get3A_682 : vector<256xf32> to vector<1x256xf32>
    %add3A_684 = vector.broadcast %broadcast_in_dim3A_678 : vector<64x1xf32> to vector<64x256xf32>
    %add3A_685 = vector.broadcast %broadcast_in_dim3A_683 : vector<1x256xf32> to vector<64x256xf32>
    %add3A_686 = arith.addf %add3A_684, %add3A_685 : vector<64x256xf32>
    %max3A_687 = arith.maximumf %max3A_672, %add3A_686 : vector<64x256xf32>
    %min3A_688 = arith.minimumf %min3A_673, %add3A_686 : vector<64x256xf32>
    %get3A_689 = arith.constant 0 : index
    %get3A_690 = arith.constant 46 : index
    %get3A_691 = vector.load %arg1[%get3A_689, %get3A_690] : memref<64x64xf32, #tpu.memory_space<vmem>>, vector<64x1xf32>
    %get3A_692 = vector.shape_cast %get3A_691 : vector<64x1xf32> to vector<64xf32>
    %broadcast_in_dim3A_693 = vector.shape_cast %get3A_692 : vector<64xf32> to vector<64x1xf32>
    %get3A_694 = arith.constant 46 : index
    %get3A_695 = arith.constant 0 : index
    %get3A_696 = vector.load %arg2[%get3A_694, %get3A_695] : memref<64x256xf32, #tpu.memory_space<vmem>>, vector<1x256xf32>
    %get3A_697 = vector.shape_cast %get3A_696 : vector<1x256xf32> to vector<256xf32>
    %broadcast_in_dim3A_698 = vector.shape_cast %get3A_697 : vector<256xf32> to vector<1x256xf32>
    %add3A_699 = vector.broadcast %broadcast_in_dim3A_693 : vector<64x1xf32> to vector<64x256xf32>
    %add3A_700 = vector.broadcast %broadcast_in_dim3A_698 : vector<1x256xf32> to vector<64x256xf32>
    %add3A_701 = arith.addf %add3A_699, %add3A_700 : vector<64x256xf32>
    %max3A_702 = arith.maximumf %max3A_687, %add3A_701 : vector<64x256xf32>
    %min3A_703 = arith.minimumf %min3A_688, %add3A_701 : vector<64x256xf32>
    %get3A_704 = arith.constant 0 : index
    %get3A_705 = arith.constant 47 : index
    %get3A_706 = vector.load %arg1[%get3A_704, %get3A_705] : memref<64x64xf32, #tpu.memory_space<vmem>>, vector<64x1xf32>
    %get3A_707 = vector.shape_cast %get3A_706 : vector<64x1xf32> to vector<64xf32>
    %broadcast_in_dim3A_708 = vector.shape_cast %get3A_707 : vector<64xf32> to vector<64x1xf32>
    %get3A_709 = arith.constant 47 : index
    %get3A_710 = arith.constant 0 : index
    %get3A_711 = vector.load %arg2[%get3A_709, %get3A_710] : memref<64x256xf32, #tpu.memory_space<vmem>>, vector<1x256xf32>
    %get3A_712 = vector.shape_cast %get3A_711 : vector<1x256xf32> to vector<256xf32>
    %broadcast_in_dim3A_713 = vector.shape_cast %get3A_712 : vector<256xf32> to vector<1x256xf32>
    %add3A_714 = vector.broadcast %broadcast_in_dim3A_708 : vector<64x1xf32> to vector<64x256xf32>
    %add3A_715 = vector.broadcast %broadcast_in_dim3A_713 : vector<1x256xf32> to vector<64x256xf32>
    %add3A_716 = arith.addf %add3A_714, %add3A_715 : vector<64x256xf32>
    %max3A_717 = arith.maximumf %max3A_702, %add3A_716 : vector<64x256xf32>
    %min3A_718 = arith.minimumf %min3A_703, %add3A_716 : vector<64x256xf32>
    %get3A_719 = arith.constant 0 : index
    %get3A_720 = arith.constant 48 : index
    %get3A_721 = vector.load %arg1[%get3A_719, %get3A_720] : memref<64x64xf32, #tpu.memory_space<vmem>>, vector<64x1xf32>
    %get3A_722 = vector.shape_cast %get3A_721 : vector<64x1xf32> to vector<64xf32>
    %broadcast_in_dim3A_723 = vector.shape_cast %get3A_722 : vector<64xf32> to vector<64x1xf32>
    %get3A_724 = arith.constant 48 : index
    %get3A_725 = arith.constant 0 : index
    %get3A_726 = vector.load %arg2[%get3A_724, %get3A_725] : memref<64x256xf32, #tpu.memory_space<vmem>>, vector<1x256xf32>
    %get3A_727 = vector.shape_cast %get3A_726 : vector<1x256xf32> to vector<256xf32>
    %broadcast_in_dim3A_728 = vector.shape_cast %get3A_727 : vector<256xf32> to vector<1x256xf32>
    %add3A_729 = vector.broadcast %broadcast_in_dim3A_723 : vector<64x1xf32> to vector<64x256xf32>
    %add3A_730 = vector.broadcast %broadcast_in_dim3A_728 : vector<1x256xf32> to vector<64x256xf32>
    %add3A_731 = arith.addf %add3A_729, %add3A_730 : vector<64x256xf32>
    %max3A_732 = arith.maximumf %max3A_717, %add3A_731 : vector<64x256xf32>
    %min3A_733 = arith.minimumf %min3A_718, %add3A_731 : vector<64x256xf32>
    %get3A_734 = arith.constant 0 : index
    %get3A_735 = arith.constant 49 : index
    %get3A_736 = vector.load %arg1[%get3A_734, %get3A_735] : memref<64x64xf32, #tpu.memory_space<vmem>>, vector<64x1xf32>
    %get3A_737 = vector.shape_cast %get3A_736 : vector<64x1xf32> to vector<64xf32>
    %broadcast_in_dim3A_738 = vector.shape_cast %get3A_737 : vector<64xf32> to vector<64x1xf32>
    %get3A_739 = arith.constant 49 : index
    %get3A_740 = arith.constant 0 : index
    %get3A_741 = vector.load %arg2[%get3A_739, %get3A_740] : memref<64x256xf32, #tpu.memory_space<vmem>>, vector<1x256xf32>
    %get3A_742 = vector.shape_cast %get3A_741 : vector<1x256xf32> to vector<256xf32>
    %broadcast_in_dim3A_743 = vector.shape_cast %get3A_742 : vector<256xf32> to vector<1x256xf32>
    %add3A_744 = vector.broadcast %broadcast_in_dim3A_738 : vector<64x1xf32> to vector<64x256xf32>
    %add3A_745 = vector.broadcast %broadcast_in_dim3A_743 : vector<1x256xf32> to vector<64x256xf32>
    %add3A_746 = arith.addf %add3A_744, %add3A_745 : vector<64x256xf32>
    %max3A_747 = arith.maximumf %max3A_732, %add3A_746 : vector<64x256xf32>
    %min3A_748 = arith.minimumf %min3A_733, %add3A_746 : vector<64x256xf32>
    %get3A_749 = arith.constant 0 : index
    %get3A_750 = arith.constant 50 : index
    %get3A_751 = vector.load %arg1[%get3A_749, %get3A_750] : memref<64x64xf32, #tpu.memory_space<vmem>>, vector<64x1xf32>
    %get3A_752 = vector.shape_cast %get3A_751 : vector<64x1xf32> to vector<64xf32>
    %broadcast_in_dim3A_753 = vector.shape_cast %get3A_752 : vector<64xf32> to vector<64x1xf32>
    %get3A_754 = arith.constant 50 : index
    %get3A_755 = arith.constant 0 : index
    %get3A_756 = vector.load %arg2[%get3A_754, %get3A_755] : memref<64x256xf32, #tpu.memory_space<vmem>>, vector<1x256xf32>
    %get3A_757 = vector.shape_cast %get3A_756 : vector<1x256xf32> to vector<256xf32>
    %broadcast_in_dim3A_758 = vector.shape_cast %get3A_757 : vector<256xf32> to vector<1x256xf32>
    %add3A_759 = vector.broadcast %broadcast_in_dim3A_753 : vector<64x1xf32> to vector<64x256xf32>
    %add3A_760 = vector.broadcast %broadcast_in_dim3A_758 : vector<1x256xf32> to vector<64x256xf32>
    %add3A_761 = arith.addf %add3A_759, %add3A_760 : vector<64x256xf32>
    %max3A_762 = arith.maximumf %max3A_747, %add3A_761 : vector<64x256xf32>
    %min3A_763 = arith.minimumf %min3A_748, %add3A_761 : vector<64x256xf32>
    %get3A_764 = arith.constant 0 : index
    %get3A_765 = arith.constant 51 : index
    %get3A_766 = vector.load %arg1[%get3A_764, %get3A_765] : memref<64x64xf32, #tpu.memory_space<vmem>>, vector<64x1xf32>
    %get3A_767 = vector.shape_cast %get3A_766 : vector<64x1xf32> to vector<64xf32>
    %broadcast_in_dim3A_768 = vector.shape_cast %get3A_767 : vector<64xf32> to vector<64x1xf32>
    %get3A_769 = arith.constant 51 : index
    %get3A_770 = arith.constant 0 : index
    %get3A_771 = vector.load %arg2[%get3A_769, %get3A_770] : memref<64x256xf32, #tpu.memory_space<vmem>>, vector<1x256xf32>
    %get3A_772 = vector.shape_cast %get3A_771 : vector<1x256xf32> to vector<256xf32>
    %broadcast_in_dim3A_773 = vector.shape_cast %get3A_772 : vector<256xf32> to vector<1x256xf32>
    %add3A_774 = vector.broadcast %broadcast_in_dim3A_768 : vector<64x1xf32> to vector<64x256xf32>
    %add3A_775 = vector.broadcast %broadcast_in_dim3A_773 : vector<1x256xf32> to vector<64x256xf32>
    %add3A_776 = arith.addf %add3A_774, %add3A_775 : vector<64x256xf32>
    %max3A_777 = arith.maximumf %max3A_762, %add3A_776 : vector<64x256xf32>
    %min3A_778 = arith.minimumf %min3A_763, %add3A_776 : vector<64x256xf32>
    %get3A_779 = arith.constant 0 : index
    %get3A_780 = arith.constant 52 : index
    %get3A_781 = vector.load %arg1[%get3A_779, %get3A_780] : memref<64x64xf32, #tpu.memory_space<vmem>>, vector<64x1xf32>
    %get3A_782 = vector.shape_cast %get3A_781 : vector<64x1xf32> to vector<64xf32>
    %broadcast_in_dim3A_783 = vector.shape_cast %get3A_782 : vector<64xf32> to vector<64x1xf32>
    %get3A_784 = arith.constant 52 : index
    %get3A_785 = arith.constant 0 : index
    %get3A_786 = vector.load %arg2[%get3A_784, %get3A_785] : memref<64x256xf32, #tpu.memory_space<vmem>>, vector<1x256xf32>
    %get3A_787 = vector.shape_cast %get3A_786 : vector<1x256xf32> to vector<256xf32>
    %broadcast_in_dim3A_788 = vector.shape_cast %get3A_787 : vector<256xf32> to vector<1x256xf32>
    %add3A_789 = vector.broadcast %broadcast_in_dim3A_783 : vector<64x1xf32> to vector<64x256xf32>
    %add3A_790 = vector.broadcast %broadcast_in_dim3A_788 : vector<1x256xf32> to vector<64x256xf32>
    %add3A_791 = arith.addf %add3A_789, %add3A_790 : vector<64x256xf32>
    %max3A_792 = arith.maximumf %max3A_777, %add3A_791 : vector<64x256xf32>
    %min3A_793 = arith.minimumf %min3A_778, %add3A_791 : vector<64x256xf32>
    %get3A_794 = arith.constant 0 : index
    %get3A_795 = arith.constant 53 : index
    %get3A_796 = vector.load %arg1[%get3A_794, %get3A_795] : memref<64x64xf32, #tpu.memory_space<vmem>>, vector<64x1xf32>
    %get3A_797 = vector.shape_cast %get3A_796 : vector<64x1xf32> to vector<64xf32>
    %broadcast_in_dim3A_798 = vector.shape_cast %get3A_797 : vector<64xf32> to vector<64x1xf32>
    %get3A_799 = arith.constant 53 : index
    %get3A_800 = arith.constant 0 : index
    %get3A_801 = vector.load %arg2[%get3A_799, %get3A_800] : memref<64x256xf32, #tpu.memory_space<vmem>>, vector<1x256xf32>
    %get3A_802 = vector.shape_cast %get3A_801 : vector<1x256xf32> to vector<256xf32>
    %broadcast_in_dim3A_803 = vector.shape_cast %get3A_802 : vector<256xf32> to vector<1x256xf32>
    %add3A_804 = vector.broadcast %broadcast_in_dim3A_798 : vector<64x1xf32> to vector<64x256xf32>
    %add3A_805 = vector.broadcast %broadcast_in_dim3A_803 : vector<1x256xf32> to vector<64x256xf32>
    %add3A_806 = arith.addf %add3A_804, %add3A_805 : vector<64x256xf32>
    %max3A_807 = arith.maximumf %max3A_792, %add3A_806 : vector<64x256xf32>
    %min3A_808 = arith.minimumf %min3A_793, %add3A_806 : vector<64x256xf32>
    %get3A_809 = arith.constant 0 : index
    %get3A_810 = arith.constant 54 : index
    %get3A_811 = vector.load %arg1[%get3A_809, %get3A_810] : memref<64x64xf32, #tpu.memory_space<vmem>>, vector<64x1xf32>
    %get3A_812 = vector.shape_cast %get3A_811 : vector<64x1xf32> to vector<64xf32>
    %broadcast_in_dim3A_813 = vector.shape_cast %get3A_812 : vector<64xf32> to vector<64x1xf32>
    %get3A_814 = arith.constant 54 : index
    %get3A_815 = arith.constant 0 : index
    %get3A_816 = vector.load %arg2[%get3A_814, %get3A_815] : memref<64x256xf32, #tpu.memory_space<vmem>>, vector<1x256xf32>
    %get3A_817 = vector.shape_cast %get3A_816 : vector<1x256xf32> to vector<256xf32>
    %broadcast_in_dim3A_818 = vector.shape_cast %get3A_817 : vector<256xf32> to vector<1x256xf32>
    %add3A_819 = vector.broadcast %broadcast_in_dim3A_813 : vector<64x1xf32> to vector<64x256xf32>
    %add3A_820 = vector.broadcast %broadcast_in_dim3A_818 : vector<1x256xf32> to vector<64x256xf32>
    %add3A_821 = arith.addf %add3A_819, %add3A_820 : vector<64x256xf32>
    %max3A_822 = arith.maximumf %max3A_807, %add3A_821 : vector<64x256xf32>
    %min3A_823 = arith.minimumf %min3A_808, %add3A_821 : vector<64x256xf32>
    %get3A_824 = arith.constant 0 : index
    %get3A_825 = arith.constant 55 : index
    %get3A_826 = vector.load %arg1[%get3A_824, %get3A_825] : memref<64x64xf32, #tpu.memory_space<vmem>>, vector<64x1xf32>
    %get3A_827 = vector.shape_cast %get3A_826 : vector<64x1xf32> to vector<64xf32>
    %broadcast_in_dim3A_828 = vector.shape_cast %get3A_827 : vector<64xf32> to vector<64x1xf32>
    %get3A_829 = arith.constant 55 : index
    %get3A_830 = arith.constant 0 : index
    %get3A_831 = vector.load %arg2[%get3A_829, %get3A_830] : memref<64x256xf32, #tpu.memory_space<vmem>>, vector<1x256xf32>
    %get3A_832 = vector.shape_cast %get3A_831 : vector<1x256xf32> to vector<256xf32>
    %broadcast_in_dim3A_833 = vector.shape_cast %get3A_832 : vector<256xf32> to vector<1x256xf32>
    %add3A_834 = vector.broadcast %broadcast_in_dim3A_828 : vector<64x1xf32> to vector<64x256xf32>
    %add3A_835 = vector.broadcast %broadcast_in_dim3A_833 : vector<1x256xf32> to vector<64x256xf32>
    %add3A_836 = arith.addf %add3A_834, %add3A_835 : vector<64x256xf32>
    %max3A_837 = arith.maximumf %max3A_822, %add3A_836 : vector<64x256xf32>
    %min3A_838 = arith.minimumf %min3A_823, %add3A_836 : vector<64x256xf32>
    %get3A_839 = arith.constant 0 : index
    %get3A_840 = arith.constant 56 : index
    %get3A_841 = vector.load %arg1[%get3A_839, %get3A_840] : memref<64x64xf32, #tpu.memory_space<vmem>>, vector<64x1xf32>
    %get3A_842 = vector.shape_cast %get3A_841 : vector<64x1xf32> to vector<64xf32>
    %broadcast_in_dim3A_843 = vector.shape_cast %get3A_842 : vector<64xf32> to vector<64x1xf32>
    %get3A_844 = arith.constant 56 : index
    %get3A_845 = arith.constant 0 : index
    %get3A_846 = vector.load %arg2[%get3A_844, %get3A_845] : memref<64x256xf32, #tpu.memory_space<vmem>>, vector<1x256xf32>
    %get3A_847 = vector.shape_cast %get3A_846 : vector<1x256xf32> to vector<256xf32>
    %broadcast_in_dim3A_848 = vector.shape_cast %get3A_847 : vector<256xf32> to vector<1x256xf32>
    %add3A_849 = vector.broadcast %broadcast_in_dim3A_843 : vector<64x1xf32> to vector<64x256xf32>
    %add3A_850 = vector.broadcast %broadcast_in_dim3A_848 : vector<1x256xf32> to vector<64x256xf32>
    %add3A_851 = arith.addf %add3A_849, %add3A_850 : vector<64x256xf32>
    %max3A_852 = arith.maximumf %max3A_837, %add3A_851 : vector<64x256xf32>
    %min3A_853 = arith.minimumf %min3A_838, %add3A_851 : vector<64x256xf32>
    %get3A_854 = arith.constant 0 : index
    %get3A_855 = arith.constant 57 : index
    %get3A_856 = vector.load %arg1[%get3A_854, %get3A_855] : memref<64x64xf32, #tpu.memory_space<vmem>>, vector<64x1xf32>
    %get3A_857 = vector.shape_cast %get3A_856 : vector<64x1xf32> to vector<64xf32>
    %broadcast_in_dim3A_858 = vector.shape_cast %get3A_857 : vector<64xf32> to vector<64x1xf32>
    %get3A_859 = arith.constant 57 : index
    %get3A_860 = arith.constant 0 : index
    %get3A_861 = vector.load %arg2[%get3A_859, %get3A_860] : memref<64x256xf32, #tpu.memory_space<vmem>>, vector<1x256xf32>
    %get3A_862 = vector.shape_cast %get3A_861 : vector<1x256xf32> to vector<256xf32>
    %broadcast_in_dim3A_863 = vector.shape_cast %get3A_862 : vector<256xf32> to vector<1x256xf32>
    %add3A_864 = vector.broadcast %broadcast_in_dim3A_858 : vector<64x1xf32> to vector<64x256xf32>
    %add3A_865 = vector.broadcast %broadcast_in_dim3A_863 : vector<1x256xf32> to vector<64x256xf32>
    %add3A_866 = arith.addf %add3A_864, %add3A_865 : vector<64x256xf32>
    %max3A_867 = arith.maximumf %max3A_852, %add3A_866 : vector<64x256xf32>
    %min3A_868 = arith.minimumf %min3A_853, %add3A_866 : vector<64x256xf32>
    %get3A_869 = arith.constant 0 : index
    %get3A_870 = arith.constant 58 : index
    %get3A_871 = vector.load %arg1[%get3A_869, %get3A_870] : memref<64x64xf32, #tpu.memory_space<vmem>>, vector<64x1xf32>
    %get3A_872 = vector.shape_cast %get3A_871 : vector<64x1xf32> to vector<64xf32>
    %broadcast_in_dim3A_873 = vector.shape_cast %get3A_872 : vector<64xf32> to vector<64x1xf32>
    %get3A_874 = arith.constant 58 : index
    %get3A_875 = arith.constant 0 : index
    %get3A_876 = vector.load %arg2[%get3A_874, %get3A_875] : memref<64x256xf32, #tpu.memory_space<vmem>>, vector<1x256xf32>
    %get3A_877 = vector.shape_cast %get3A_876 : vector<1x256xf32> to vector<256xf32>
    %broadcast_in_dim3A_878 = vector.shape_cast %get3A_877 : vector<256xf32> to vector<1x256xf32>
    %add3A_879 = vector.broadcast %broadcast_in_dim3A_873 : vector<64x1xf32> to vector<64x256xf32>
    %add3A_880 = vector.broadcast %broadcast_in_dim3A_878 : vector<1x256xf32> to vector<64x256xf32>
    %add3A_881 = arith.addf %add3A_879, %add3A_880 : vector<64x256xf32>
    %max3A_882 = arith.maximumf %max3A_867, %add3A_881 : vector<64x256xf32>
    %min3A_883 = arith.minimumf %min3A_868, %add3A_881 : vector<64x256xf32>
    %get3A_884 = arith.constant 0 : index
    %get3A_885 = arith.constant 59 : index
    %get3A_886 = vector.load %arg1[%get3A_884, %get3A_885] : memref<64x64xf32, #tpu.memory_space<vmem>>, vector<64x1xf32>
    %get3A_887 = vector.shape_cast %get3A_886 : vector<64x1xf32> to vector<64xf32>
    %broadcast_in_dim3A_888 = vector.shape_cast %get3A_887 : vector<64xf32> to vector<64x1xf32>
    %get3A_889 = arith.constant 59 : index
    %get3A_890 = arith.constant 0 : index
    %get3A_891 = vector.load %arg2[%get3A_889, %get3A_890] : memref<64x256xf32, #tpu.memory_space<vmem>>, vector<1x256xf32>
    %get3A_892 = vector.shape_cast %get3A_891 : vector<1x256xf32> to vector<256xf32>
    %broadcast_in_dim3A_893 = vector.shape_cast %get3A_892 : vector<256xf32> to vector<1x256xf32>
    %add3A_894 = vector.broadcast %broadcast_in_dim3A_888 : vector<64x1xf32> to vector<64x256xf32>
    %add3A_895 = vector.broadcast %broadcast_in_dim3A_893 : vector<1x256xf32> to vector<64x256xf32>
    %add3A_896 = arith.addf %add3A_894, %add3A_895 : vector<64x256xf32>
    %max3A_897 = arith.maximumf %max3A_882, %add3A_896 : vector<64x256xf32>
    %min3A_898 = arith.minimumf %min3A_883, %add3A_896 : vector<64x256xf32>
    %get3A_899 = arith.constant 0 : index
    %get3A_900 = arith.constant 60 : index
    %get3A_901 = vector.load %arg1[%get3A_899, %get3A_900] : memref<64x64xf32, #tpu.memory_space<vmem>>, vector<64x1xf32>
    %get3A_902 = vector.shape_cast %get3A_901 : vector<64x1xf32> to vector<64xf32>
    %broadcast_in_dim3A_903 = vector.shape_cast %get3A_902 : vector<64xf32> to vector<64x1xf32>
    %get3A_904 = arith.constant 60 : index
    %get3A_905 = arith.constant 0 : index
    %get3A_906 = vector.load %arg2[%get3A_904, %get3A_905] : memref<64x256xf32, #tpu.memory_space<vmem>>, vector<1x256xf32>
    %get3A_907 = vector.shape_cast %get3A_906 : vector<1x256xf32> to vector<256xf32>
    %broadcast_in_dim3A_908 = vector.shape_cast %get3A_907 : vector<256xf32> to vector<1x256xf32>
    %add3A_909 = vector.broadcast %broadcast_in_dim3A_903 : vector<64x1xf32> to vector<64x256xf32>
    %add3A_910 = vector.broadcast %broadcast_in_dim3A_908 : vector<1x256xf32> to vector<64x256xf32>
    %add3A_911 = arith.addf %add3A_909, %add3A_910 : vector<64x256xf32>
    %max3A_912 = arith.maximumf %max3A_897, %add3A_911 : vector<64x256xf32>
    %min3A_913 = arith.minimumf %min3A_898, %add3A_911 : vector<64x256xf32>
    %get3A_914 = arith.constant 0 : index
    %get3A_915 = arith.constant 61 : index
    %get3A_916 = vector.load %arg1[%get3A_914, %get3A_915] : memref<64x64xf32, #tpu.memory_space<vmem>>, vector<64x1xf32>
    %get3A_917 = vector.shape_cast %get3A_916 : vector<64x1xf32> to vector<64xf32>
    %broadcast_in_dim3A_918 = vector.shape_cast %get3A_917 : vector<64xf32> to vector<64x1xf32>
    %get3A_919 = arith.constant 61 : index
    %get3A_920 = arith.constant 0 : index
    %get3A_921 = vector.load %arg2[%get3A_919, %get3A_920] : memref<64x256xf32, #tpu.memory_space<vmem>>, vector<1x256xf32>
    %get3A_922 = vector.shape_cast %get3A_921 : vector<1x256xf32> to vector<256xf32>
    %broadcast_in_dim3A_923 = vector.shape_cast %get3A_922 : vector<256xf32> to vector<1x256xf32>
    %add3A_924 = vector.broadcast %broadcast_in_dim3A_918 : vector<64x1xf32> to vector<64x256xf32>
    %add3A_925 = vector.broadcast %broadcast_in_dim3A_923 : vector<1x256xf32> to vector<64x256xf32>
    %add3A_926 = arith.addf %add3A_924, %add3A_925 : vector<64x256xf32>
    %max3A_927 = arith.maximumf %max3A_912, %add3A_926 : vector<64x256xf32>
    %min3A_928 = arith.minimumf %min3A_913, %add3A_926 : vector<64x256xf32>
    %get3A_929 = arith.constant 0 : index
    %get3A_930 = arith.constant 62 : index
    %get3A_931 = vector.load %arg1[%get3A_929, %get3A_930] : memref<64x64xf32, #tpu.memory_space<vmem>>, vector<64x1xf32>
    %get3A_932 = vector.shape_cast %get3A_931 : vector<64x1xf32> to vector<64xf32>
    %broadcast_in_dim3A_933 = vector.shape_cast %get3A_932 : vector<64xf32> to vector<64x1xf32>
    %get3A_934 = arith.constant 62 : index
    %get3A_935 = arith.constant 0 : index
    %get3A_936 = vector.load %arg2[%get3A_934, %get3A_935] : memref<64x256xf32, #tpu.memory_space<vmem>>, vector<1x256xf32>
    %get3A_937 = vector.shape_cast %get3A_936 : vector<1x256xf32> to vector<256xf32>
    %broadcast_in_dim3A_938 = vector.shape_cast %get3A_937 : vector<256xf32> to vector<1x256xf32>
    %add3A_939 = vector.broadcast %broadcast_in_dim3A_933 : vector<64x1xf32> to vector<64x256xf32>
    %add3A_940 = vector.broadcast %broadcast_in_dim3A_938 : vector<1x256xf32> to vector<64x256xf32>
    %add3A_941 = arith.addf %add3A_939, %add3A_940 : vector<64x256xf32>
    %max3A_942 = arith.maximumf %max3A_927, %add3A_941 : vector<64x256xf32>
    %min3A_943 = arith.minimumf %min3A_928, %add3A_941 : vector<64x256xf32>
    %get3A_944 = arith.constant 0 : index
    %get3A_945 = arith.constant 63 : index
    %get3A_946 = vector.load %arg1[%get3A_944, %get3A_945] : memref<64x64xf32, #tpu.memory_space<vmem>>, vector<64x1xf32>
    %get3A_947 = vector.shape_cast %get3A_946 : vector<64x1xf32> to vector<64xf32>
    %broadcast_in_dim3A_948 = vector.shape_cast %get3A_947 : vector<64xf32> to vector<64x1xf32>
    %get3A_949 = arith.constant 63 : index
    %get3A_950 = arith.constant 0 : index
    %get3A_951 = vector.load %arg2[%get3A_949, %get3A_950] : memref<64x256xf32, #tpu.memory_space<vmem>>, vector<1x256xf32>
    %get3A_952 = vector.shape_cast %get3A_951 : vector<1x256xf32> to vector<256xf32>
    %broadcast_in_dim3A_953 = vector.shape_cast %get3A_952 : vector<256xf32> to vector<1x256xf32>
    %add3A_954 = vector.broadcast %broadcast_in_dim3A_948 : vector<64x1xf32> to vector<64x256xf32>
    %add3A_955 = vector.broadcast %broadcast_in_dim3A_953 : vector<1x256xf32> to vector<64x256xf32>
    %add3A_956 = arith.addf %add3A_954, %add3A_955 : vector<64x256xf32>
    %max3A_957 = arith.maximumf %max3A_942, %add3A_956 : vector<64x256xf32>
    %min3A_958 = arith.minimumf %min3A_943, %add3A_956 : vector<64x256xf32>
    %sub3A = arith.subf %max3A_957, %min3A_958 : vector<64x256xf32>
    %swap3A = arith.constant 0 : index
    %swap3A_959 = arith.constant 0 : index
    %swap3A_960 = vector.load %arg3[%swap3A, %swap3A_959] : memref<64x256xf32, #tpu.memory_space<vmem>>, vector<64x256xf32>
    tpu.vector_store %arg3[%swap3A, %swap3A_959], %sub3A {strides = array<i32>} : memref<64x256xf32, #tpu.memory_space<vmem>>, vector<64x256xf32>,
    return
  }
  func.func @transform_0(%arg0: i32) -> (i32, i32) {
    %add3A = arith.constant 20 : i32
    %add3A_0 = arith.addi %arg0, %add3A : i32
    %c0_i32 = arith.constant 0 : i32
    %c0_i32_1 = arith.constant 0 : i32
    return %add3A_0, %c0_i32 : i32, i32
  }
  func.func @transform_1(%arg0: i32) -> (i32, i32) {
    %c0_i32 = arith.constant 0 : i32
    %c0_i32_0 = arith.constant 0 : i32
    %c0_i32_1 = arith.constant 0 : i32
    return %c0_i32, %c0_i32_0 : i32, i32
  }
  func.func @transform_2(%arg0: i32) -> (i32, i32) {
    %c0_i32 = arith.constant 0 : i32
    %c0_i32_0 = arith.constant 0 : i32
    return %arg0, %c0_i32 : i32, i32
  }
}

</mosaic_0001>

<sc_bundles>
// kernel: kernel.4.cloned.1.call-start
scs
__scs_entry_jumppad:
0x0: {  	(pc) =	sbr.rel $0x88, $3  }
0x1: {  	(tag) =	ssettag $0x0;
	lr =	simm.s32 $0x1  }
0x2: {  	[smem:$0x3F9F] =	sst lr;
	_ =	strace $0xD0000000  }
0x3: {  	_ = 	snop  }
0x4: {  	_ = 	snop  }
0x5: {  	_ = 	snop  }
0x6: {  	_ = 	snop  }
0x7: {  	_ = 	snop  }
__scs_overlays_trampoline_lowered:
0x8: {  	[smem:$0x3FAE] =	sst s0  }
0x9: {  	[smem:$0x3FAF] =	sst s1  }
0xa: {  	[smem:$0x3FB0] =	sst s2  }
0xb: {  	[smem:$0x3FB1] =	sst s3  }
0xc: {  	[smem:$0x3FB2] =	sst s4  }
0xd: {  	[smem:$0x3FB3] =	sst s5  }
0xe: {  	[smem:$0x3FB4] =	sst s6  }
0xf: {  	[smem:$0x3FB5] =	sst s7  }
0x10: {  	[smem:$0x3FB6] =	sst s8  }
0x11: {  	[smem:$0x3FB7] =	sst s9;
	s0 =	simm.s32 @!p0 $0x0  }
0x12: {  	s1 =	sld [smem:$0x3F9D];
	s0 =	simm.s32 @p0 $0x1  }
0x13: {  	[smem:$0x3FB8] =	sst s0;
	s0 =	simm.s32 @!p1 $0x0  }
0x14: {  	s2 =	sld [smem:$0x3F9C];
	s0 =	simm.s32 @p1 $0x1  }
0x15: {  	[smem:$0x3FB9] =	sst s0;
	s0 =	simm.s32 @!p2 $0x0  }
0x16: {  	s3 =	sld [smem:$0x3FDB];
	s0 =	simm.s32 @p2 $0x1  }
0x17: {  	s4 =	simm.s32 $0x1BF5;
	[smem:$0x3FBB] =	sst s0  }
0x18: {  	s0 =	sld [smem:$0x3F9E];
	_ =	swait.ge [sflag:s4], $0x0  }
0x19: {  	s7 =	sld [smem:$0x3F9F]  }
0x1a: {  	s8 =	sadd.s32 $0xFFFFE003, lr  }
0x1b: {  	s9 =	sadd.s32 $0xFFFFFEF7, lr;
	s5 =	simm.s32 $0xFFFFFFFF;
	p2 =	slt.u32 s8, $0xFFFFF086  }
0x1c: {  	p1 =	slt.u32 s9, $0xF7A;
	s5 =	simm.s32 @!p2 $0x0  }
0x1d: {  	s5 =	simm.s32 @p1 $0x1;
	p0 =	seq.s32 s7, s2  }
0x1e: {  	s7 =	smul.u32 @!p0 $0xF7A, s2;
	p2 =	seq.s32 @!p0 s5, $0x0  }
0x1f: {  	s9 =	smul.u32 $0xF7A, s1;
	s8 =	simm.s32 @!p0 $0x1BF5;
	p2 =	por !p2, p0  }
0x20: {  	[sflag:s8] =	ssyncset.s32 @!p0 $0xFFFFF086;
	s6 =	sadd.s32 @!p0 s3, s7;
	s7 =	simm.s32 @!p0 $0x108  }
0x21: {  	s3 =	sadd.s32 s3, s9;
	s6 =	sadd.s32 @!p0 $0x88, s6;
	s7 =	simm.s32 @p2 $0x1082  }
0x22: {  	[simem:s7], [sflag:s8] =	dma.local @!p0 [hbm:s6], $0xF7A  }
0x23: {  	s9 =	sor.u32 $0xD0000000, s2;
	s6 =	simm.s32 $0x108;
	_ =	swait.ge @!p0 [sflag:s8], $0x0  }
0x24: {  	s3 =	sadd.s32 $0x88, s3;
	s6 =	simm.s32 @!p1 $0x1082;
	[sflag:s4] =	ssyncset.s32 $0xFFFFF086  }
0x25: {  	[simem:s6], [sflag:s4] =	dma.local [hbm:s3], $0xF7A  }
0x26: {  	[smem:$0x3F9F] =	sst s1;
	(tag) =	ssettag s2;
	_ =	strace s9  }
0x27: {  	s1 =	sld [smem:$0x3FAF]  }
0x28: {  	s2 =	sld [smem:$0x3FB0]  }
0x29: {  	s4 =	sld [smem:$0x3FB2]  }
0x2a: {  	p0 =	seq.s32 s5, $0x0;
	s5 =	sld [smem:$0x3FB3]  }
0x2b: {  	s6 =	sld [smem:$0x3FB4]  }
0x2c: {  	s7 =	sld [smem:$0x3FB5]  }
0x2d: {  	s3 =	simm.s32 $0x108;
	s8 =	sld [smem:$0x3FB6]  }
0x2e: {  	s3 =	simm.s32 @!p0 $0x1082;
	s9 =	sld [smem:$0x3FB7]  }
0x2f: {  	lr =	sadd.s32 s0, s3;
	s0 =	sld [smem:$0x3FAE]  }
0x30: {  	s3 =	sld [smem:$0x3FB1]  }
0x31: {  	[smem:$0x3FBA] =	sst s10  }
0x32: {  	s10 =	sld [smem:$0x3FB8];
	_ =	sdelay $0x3  }
0x33: {  	p0 =	seq.s32 s10, $0x1;
	s10 =	sld [smem:$0x3FBA];
	_ =	sdelay $0x3  }
0x34: {  	[smem:$0x3FBA] =	sst s10  }
0x35: {  	s10 =	sld [smem:$0x3FB9];
	_ =	sdelay $0x3  }
0x36: {  	p1 =	seq.s32 s10, $0x1;
	s10 =	sld [smem:$0x3FBA];
	_ =	sdelay $0x3  }
0x37: {  	[smem:$0x3FBA] =	sst s10  }
0x38: {  	s10 =	sld [smem:$0x3FBB]  }
0x39: {  	_ = 	snop;
	(pc) =	sbr.ind lr, $3  }
0x3a: {  	_ = 	snop  }
0x3b: {  	_ = 	snop  }
0x3c: {  	p2 =	seq.s32 s10, $0x1;
	s10 =	sld [smem:$0x3FBA]  }
0x3d: {  	_ =	shalt  }
0x3e: {  	_ =	shalt  }
0x3f: {  	_ =	shalt  }
0x40: {  	_ =	shalt  }
0x41: {  	_ =	shalt  }
0x42: {  	_ =	shalt  }
0x43: {  	_ =	shalt  }
0x44: {  	_ =	shalt  }
0x45: {  	_ =	shalt  }
0x46: {  	_ =	shalt  }
0x47: {  	_ =	shalt  }
0x48: {  	_ =	shalt  }
0x49: {  	_ =	shalt  }
0x4a: {  	_ =	shalt  }
0x4b: {  	_ =	shalt  }
0x4c: {  	_ =	shalt  }
0x4d: {  	_ =	shalt  }
0x4e: {  	_ =	shalt  }
0x4f: {  	_ =	shalt  }
0x50: {  	_ =	shalt  }
0x51: {  	_ =	shalt  }
0x52: {  	_ =	shalt  }
0x53: {  	_ =	shalt  }
0x54: {  	_ =	shalt  }
0x55: {  	_ =	shalt  }
0x56: {  	_ =	shalt  }
0x57: {  	_ =	shalt  }
0x58: {  	_ =	shalt  }
0x59: {  	_ =	shalt  }
0x5a: {  	_ =	shalt  }
0x5b: {  	_ =	shalt  }
0x5c: {  	_ =	shalt  }
0x5d: {  	_ =	shalt  }
0x5e: {  	_ =	shalt  }
0x5f: {  	_ =	shalt  }
0x60: {  	_ =	shalt  }
0x61: {  	_ =	shalt  }
0x62: {  	_ =	shalt  }
0x63: {  	_ =	shalt  }
0x64: {  	_ =	shalt  }
0x65: {  	_ =	shalt  }
0x66: {  	_ =	shalt  }
0x67: {  	_ =	shalt  }
0x68: {  	_ =	shalt  }
0x69: {  	_ =	shalt  }
0x6a: {  	_ =	shalt  }
0x6b: {  	_ =	shalt  }
0x6c: {  	_ =	shalt  }
0x6d: {  	_ =	shalt  }
0x6e: {  	_ =	shalt  }
0x6f: {  	_ =	shalt  }
0x70: {  	_ =	shalt  }
0x71: {  	_ =	shalt  }
0x72: {  	_ =	shalt  }
0x73: {  	_ =	shalt  }
0x74: {  	_ =	shalt  }
0x75: {  	_ =	shalt  }
0x76: {  	_ =	shalt  }
0x77: {  	_ =	shalt  }
0x78: {  	_ =	shalt  }
0x79: {  	_ =	shalt  }
0x7a: {  	_ =	shalt  }
0x7b: {  	_ =	shalt  }
0x7c: {  	_ =	shalt  }
0x7d: {  	_ =	shalt  }
0x7e: {  	_ =	shalt  }
0x7f: {  	_ =	shalt  }
0x80: {  	_ =	shalt  }
0x81: {  	_ =	shalt  }
0x82: {  	_ =	shalt  }
0x83: {  	_ =	shalt  }
0x84: {  	_ =	shalt  }
0x85: {  	_ =	shalt  }
0x86: {  	_ =	shalt  }
0x87: {  	_ =	shalt  }
.Lfunc_end0:
.L_simem_size_0:
called_computation_lowered:
.L_overlay_start_0:
0x88: {  	s2 =	sld [smem:$0x3FD9]  }
0x89: {  	s3 =	sld [smem:$0x3FFE];
	_ =	sdelay $0x1  }
0x8a: {  	s1 =	srdreg.scid  }
0x8b: {  	s0 =	sand.u32 $0x1, s1  }
0x8c: {  	s17 =	sshll.u32 s0, $0xA;
	s2 =	sadd.s32 s3, s2  }
0x8d: {  	s2 =	sadd.s32 s2, s17  }
0x8e: {  	[smem:$0x3FC6] =	sst s2  }
0x8f: {  	_ = 	snop  }
0x90: {  	s2 =	sld [smem:$0x3FC8]  }
0x91: {  	s18 =	sld [smem:$0x3FD0];
	(tm) =	ssettm $0x1  }
0x92: {  	s4 =	sld [smem:$0x3FFB];
	_ =	sdelay $0x3  }
0x93: {  	_ =	strace s4  }
0x94: {  	s4 =	sld [smem:$0x3FFC];
	_ =	sdelay $0x3  }
0x95: {  	_ =	strace s4  }
0x96: {  	s4 =	sld [smem:$0x3FFD];
	_ =	sdelay $0x3  }
0x97: {  	_ =	strace s4  }
0x98: {  	_ =	strace $0x8FFFFFFF  }
0x99: {  	s19 =	sld [smem:$0x3FDB];
	_ =	sdelay $0x1  }
0x9a: {  	s5 =	simm.s32 $_scs_section_size  }
0x9b: {  	s6 =	simm.s32 $_size__tile_overlayer_lowered;
	s7 =	simm.s32 $_tile_overlayer_lowered  }
0x9c: {  	s22 =	simm.s32 $0x1BFF;
	s21 =	sshll.u32 s7, $0x1;
	s4 =	sadd.s32 s5, s19  }
0x9d: {  	s8 =	simm.s32 $0x0;
	s20 =	sshll.u32 s6, $0x1;
	s6 =	sadd.s32 s21, s4  }
0x9e: {  	[timem:s8], [sflag:s22] =	dma.local [hbm:s6], s20  }
0x9f: {  	_ =	swait.ge [sflag:s22], s20  }
0xa0: {  	s5 =	ssub.s32 $0x0, s20;
	[sflag:s22] =	ssyncset.done $0x0  }
0xa1: {  	[sflag:s22] =	ssyncadd.s32 s5;
	_ =	sdelay $0x1  }
0xa2: {  	s23 =	simm.s32 $0x1B8B  }
0xa3: {  	_ =	swait.ge [sflag:s23], $0x1  }
0xa4: {  	[sflag:s23] =	ssyncset.done $0x0  }
0xa5: {  	s25 =	simm.s32 $0x1B8E;
	s24 =	sld [smem:$0x3FFE];
	[sflag:s23] =	ssyncadd.s32 $0xFFFFFFFF  }
0xa6: {  	s26 =	simm.s32 $execute0_lowered;
	[smem:$0x3FD2] =	sst s25  }
0xa7: {  	s6 =	sshll.u32 s26, $0x1;
	_ =	strace $0x80000046;
	[dreg:$0x1] =	wrdreg $0xFFFFFFFF  }
0xa8: {  	s28 =	simm.s32 $_size_execute0_lowered;
	s4 =	sadd.s32 s4, s6;
	[dreg:$0x0] =	wrdreg $0x0  }
0xa9: {  	s6 =	sshll.u32 s28, $0x1;
	[dreg:$0x2] =	wrdreg s4  }
0xaa: {  	[dreg:$0x3] =	wrdreg s6  }
0xab: {  	[dreg:$0x4] =	wrdreg $0xC0  }
0xac: {  	_ =	task [dreg:s8], $0x5FFFF  }
0xad: {  	[dreg:$0x1] =	wrdreg $0xFFFFFFFF  }
0xae: {  	[dreg:$0x0] =	wrdreg $0x60  }
0xaf: {  	[dreg:$0x2] =	wrdreg s18  }
0xb0: {  	[dreg:$0x3] =	wrdreg s2  }
0xb1: {  	[dreg:$0x4] =	wrdreg s24  }
0xb2: {  	[dreg:$0x5] =	wrdreg $0x9  }
0xb3: {  	_ =	task.clear_ibuf [dreg:s8], $0x6FFFF;
	_ =	strace $0x90000046  }
0xb4: {  	s29 =	simm.s32 $0x9;
	_ =	strace $0x80000048  }
0xb5: {  	_ =	swait.ge [sflag:s29], $0x1  }
0xb6: {  	[sflag:s29] =	ssyncadd.s32 $0xFFFFFFFF  }
0xb7: {  	_ =	strace $0x90000048  }
0xb8: {  	_ =	sfence  }
0xb9: {  	s30 =	sld [smem:$0x0];
	_ =	sdelay $0x2  }
0xba: {  	s31 =	sshll.u32 s1, $0xD;
	s1 =	sshrl.u32 s1, $0x2  }
0xbb: {  	s3 =	sand.u32 $0x4000, s31;
	s1 =	sadd.s32 s1, s30  }
0xbc: {  	s0 =	sor.u32 s3, s0;
	s1 =	sshll.u32 s1, $0x11  }
0xbd: {  	s0 =	sor.u32 s1, s0  }
0xbe: {  	s0 =	sadd.s32 $0x8F2B, s0  }
0xbf: {  	[sflag:s0] =	ssyncadd.remote.s32 $0x1  }
0xc0: {  	_ =	sfence.sel $0xFFFF  }
0xc1: {  	[dreg:$0x0] =	wrdreg $0xFFFFFFFF;
	(pc) =	sbr.abs _section_cstart, $3  }
0xc2: {  	[dreg:$0x1] =	wrdreg $0xFFFFFFFF  }
0xc3: {  	_ =	task.clear_ibuf [dreg:s8], $0x2FFFF;
	_ =	strace $0x9FFFFFFF  }
0xc4: {  	(tm) =	ssettm $0x7FFFFFFF  }
0xc5: {  	_ =	shalt  }
tec
execute0_lowered:
.L_overlay_start_1:
0x0: {  	(tag) =	ssettag $0x1  }
0x1: {  	s4 =	rddreg [dreg:$0x0];
	s1 =	srdreg.scid  }
0x2: {  	s0 =	stileid.u32;
	s2 =	rddreg [dreg:$0x1]  }
0x3: {  	s6 =	rddreg [dreg:$0x2];
	s5 =	sand.u32 $0x1, s1;
	s30 =	sshll.u32 s0, $0x1  }
0x4: {  	s3 =	simm.s32 $0x0;
	s10 =	simm.s32 $0x0;
	s7 =	sor.u32 s5, s30  }
0x5: {  	s1 =	rddreg [dreg:$0x3];
	s5 =	ssub.s32 $0x2, s5;
	s8 =	smul.u32 $0x500, s7  }
0x6: {  	[smem:$0x7FF] =	sst s3;
	s7 =	smul.u32 $0x280, s7;
	s9 =	sshrl.u32 s5, $0x1  }
0x7: {  	_ =	strace $0x80000047;
	s31 =	ssub.s32 s5, s9;
	s9 =	simm.s32 $0x5400  }
0x8: {  	s6 =	sadd.s32 s8, s6;
	s4 =	sadd.s32 s4, s7;
	s7 =	simm.s32 $0x1  }
0x9: {  	s8 =	simm.s32 $0x1400;
	s5 =	sadd.s32 $0x600, s6;
	s6 =	smax.u32 s31, $0x1  }
.LBB2_1:
0xa: {  	[tilespmem:s3], [sflag:$0x1] =	stream.linear.gather [hbm4b:s4+s3], $0x1400, $0x38;
	[tilespmem:$0x7C00] =	vst v63  }
0xb: {  	_ =	swait.ge [sflag:s7], $0x1400  }
0xc: {  	[sflag:s7] =	ssyncset.done $0x0  }
0xd: {  	[sflag:s7] =	ssyncadd.s32 $0xFFFFEC00  }
0xe: {  	[tilespmem:s8], [sflag:$0x1] =	stream.linear.gather [hbm4b:s2+s3], $0x4000, $0x38;
	[tilespmem:$0x7C00] =	vst v63  }
0xf: {  	_ =	swait.ge [sflag:s7], $0x4000  }
0x10: {  	[sflag:s7] =	ssyncset.done $0x0  }
0x11: {  	s11 =	simm.s32 $0x0;
	[sflag:s7] =	ssyncadd.s32 $0xFFFFC000  }
.LBB2_2:
0x12: {  	s12 =	sshll.u32 s11, $0x7  }
0x13: {  	s13 =	sand.u32 $0x3FFFFF80, s12  }
0x14: {  	v15 =	vmov s13  }
0x15: {  	s14 =	simm.s32 $0x0  }
0x16: {  	s15 =	sand.u32 $0x3800, s14;
	s16 =	sand.u32 $0x380, s14  }
0x17: {  	s13 =	sor.u32 s16, s15  }
0x18: {  	s31 =	sand.u32 $0x30, s14;
	v1 =	vld [tilespmem:s13+$0x1870]  }
0x19: {  	v0 =	vld.idx.msk [tilespmem:v15+s31+$0x0 ss:$0x1], $0xffff  }
0x1a: {  	v2 =	vld [tilespmem:s13+$0x1400]  }
0x1b: {  	v16 =	vimm.f32 $-Inf;
	v3 =	vld [tilespmem:s13+$0x1410]  }
0x1c: {  	v17 =	vimm.f32 $+Inf;
	v32 =	vimm.f32 $-Inf;
	v33 =	vimm.f32 $+Inf;
	v7 =	vld [tilespmem:s13+$0x1450]  }
0x1d: {  	v30 =	vimm.f32 $-Inf;
	v31 =	vimm.f32 $+Inf;
	v4 =	vmov s14;
	v18 =	vld [tilespmem:s13+$0x1460]  }
0x1e: {  	v28 =	vimm.f32 $-Inf;
	v29 =	vimm.f32 $+Inf;
	v19 =	vld [tilespmem:s13+$0x1470];
	v14 =	vperm.xlane v0, v4  }
0x1f: {  	v27 =	vimm.f32 $-Inf;
	v24 =	vimm.f32 $+Inf;
	v25 =	vimm.f32 $-Inf;
	v5 =	vld [tilespmem:s13+$0x1420]  }
0x20: {  	v21 =	vimm.f32 $+Inf;
	v26 =	vimm.f32 $-Inf;
	v6 =	vld [tilespmem:s13+$0x1440];
	v1 =	vadd.f32 v1, v14  }
0x21: {  	v22 =	vimm.f32 $+Inf;
	v4 =	vld [tilespmem:s13+$0x1430];
	v2 =	vadd.f32 v2, v14;
	v3 =	vadd.f32 v3, v14  }
0x22: {  	v23 =	vimm.f32 $+Inf;
	v20 =	vadd.f32 v7, v14;
	v40 =	vadd.f32 v18, v14  }
0x23: {  	v39 =	vadd.f32 v19, v14;
	v18 =	vimm.f32 $-Inf;
	v19 =	vimm.f32 $-Inf  }
0x24: {  	v0 =	vmax.f32 v16, v1;
	v1 =	vmin.f32 v17, v1;
	v8 =	vmax.f32 v16, v2  }
0x25: {  	v37 =	vld [tilespmem:s13+$0x1800];
	v9 =	vmin.f32 v17, v2;
	v2 =	vadd.f32 v5, v14;
	v5 =	vadd.f32 v6, v14  }
0x26: {  	v35 =	vld [tilespmem:s13+$0x1810];
	v10 =	vmax.f32 v16, v3;
	v11 =	vmin.f32 v17, v3;
	v3 =	vadd.f32 v4, v14  }
0x27: {  	v36 =	vld [tilespmem:s13+$0x1820];
	v12 =	vmax.f32 v16, v2;
	v13 =	vmin.f32 v17, v2;
	v4 =	vmax.f32 v16, v5  }
0x28: {  	s15 =	simm.s32 $0x1;
	v34 =	vld [tilespmem:s13+$0x1830];
	v5 =	vmin.f32 v17, v5;
	v2 =	vmax.f32 v16, v20;
	v6 =	vmax.f32 v16, v3  }
0x29: {  	s17 =	simm.s32 $0x2;
	s16 =	simm.s32 $0x0;
	s18 =	sand.u32 $0x30, s15;
	v38 =	vld [tilespmem:s13+$0x1840];
	v7 =	vmin.f32 v17, v3;
	v3 =	vmin.f32 v17, v20;
	v20 =	vimm.f32 $+Inf  }
.LBB2_3:
0x2a: {  	p0 =	sne.s32 s17, $0x3F;
	v41 =	vld.idx.msk [tilespmem:v15+s18+$0x0 ss:$0x1], $0xffff;
	v16 =	vmax.f32 v16, v40;
	v17 =	vmin.f32 v17, v40;
	v37 =	vadd.f32 v37, v14;
	s14 =	sadd.s32 $0x80, s14;
	s16 =	sadd.s32 $0x100, s16  }
0x2b: {  	s18 =	sand.u32 $0x3800, s16;
	s19 =	sand.u32 $0x380, s14;
	v32 =	vmax.f32 v32, v39;
	v33 =	vmin.f32 v33, v39;
	v35 =	vadd.f32 v35, v14;
	v39 =	vld [tilespmem:s13+$0x1850]  }
0x2c: {  	v30 =	vmax.f32 v30, v37;
	v31 =	vmin.f32 v31, v37;
	v36 =	vadd.f32 v36, v14;
	v37 =	vld [tilespmem:s13+$0x1860];
	s13 =	sor.u32 s19, s18  }
0x2d: {  	v40 =	vld [tilespmem:s13+$0x1870];
	v28 =	vmax.f32 v28, v35;
	v29 =	vmin.f32 v29, v35;
	v34 =	vadd.f32 v34, v14  }
0x2e: {  	v35 =	vld [tilespmem:s13+$0x1400];
	v27 =	vmax.f32 v27, v36;
	v24 =	vmin.f32 v24, v36;
	v36 =	vadd.f32 v38, v14  }
0x2f: {  	v38 =	vmov s15;
	s15 =	smov.u32 s17;
	v42 =	vld [tilespmem:s13+$0x1410];
	v25 =	vmax.f32 v25, v34;
	v21 =	vmin.f32 v21, v34  }
0x30: {  	v34 =	vperm.xlane v41, v38;
	v38 =	vld [tilespmem:s13+$0x1420];
	v26 =	vmax.f32 v26, v36;
	v39 =	vadd.f32 v39, v14  }
0x31: {  	v22 =	vmin.f32 v22, v36;
	v41 =	vld [tilespmem:s13+$0x1430];
	v36 =	vadd.f32 v37, v14  }
0x32: {  	v14 =	vmovc v34;
	v43 =	vld [tilespmem:s13+$0x1440];
	v37 =	vadd.f32 v40, v34;
	v18 =	vmax.f32 v18, v39;
	v23 =	vmin.f32 v23, v39  }
0x33: {  	v34 =	vadd.f32 v35, v14;
	v39 =	vld [tilespmem:s13+$0x1450];
	v19 =	vmax.f32 v19, v36;
	v20 =	vmin.f32 v20, v36  }
0x34: {  	v35 =	vadd.f32 v42, v14;
	v40 =	vld [tilespmem:s13+$0x1460];
	v0 =	vmax.f32 v0, v37;
	v1 =	vmin.f32 v1, v37  }
0x35: {  	v8 =	vmax.f32 v8, v34;
	v9 =	vmin.f32 v9, v34;
	v34 =	vadd.f32 v38, v14;
	v38 =	vld [tilespmem:s13+$0x1470]  }
.Ltmp0:
0x36: {  	v10 =	vmax.f32 v10, v35;
	v11 =	vmin.f32 v11, v35;
	v36 =	vadd.f32 v41, v14;
	v37 =	vld [tilespmem:s13+$0x1800];
	(pc) =	sbr.rel @p0 .LBB2_3-.Ltmp0, $4  }
0x37: {  	v12 =	vmax.f32 v12, v34;
	v13 =	vmin.f32 v13, v34;
	v34 =	vadd.f32 v43, v14;
	v35 =	vld [tilespmem:s13+$0x1810]  }
0x38: {  	v6 =	vmax.f32 v6, v36;
	v7 =	vmin.f32 v7, v36;
	v39 =	vadd.f32 v39, v14;
	v36 =	vld [tilespmem:s13+$0x1820]  }
0x39: {  	v4 =	vmax.f32 v4, v34;
	v5 =	vmin.f32 v5, v34;
	v40 =	vadd.f32 v40, v14;
	v34 =	vld [tilespmem:s13+$0x1830]  }
0x3a: {  	s17 =	sadd.s32 $0x1, s17;
	s18 =	sand.u32 $0x30, s15;
	v2 =	vmax.f32 v2, v39;
	v3 =	vmin.f32 v3, v39;
	v39 =	vadd.f32 v38, v14;
	v38 =	vld [tilespmem:s13+$0x1840]  }
0x3b: {  	_ =	sdelay $0x3  }
0x3c: {  	v15 =	vld.idx.msk [tilespmem:v15+s18+$0x0 ss:$0x1], $0xffff;
	s14 =	sadd.s32 $0x80, s14;
	s16 =	sadd.s32 $0x100, s16  }
0x3d: {  	v41 =	vld [tilespmem:s13+$0x1850];
	s16 =	sand.u32 $0x3800, s16;
	s14 =	sand.u32 $0x380, s14  }
0x3e: {  	v55 =	vld [tilespmem:s13+$0x1860];
	s14 =	sor.u32 s14, s16  }
0x3f: {  	v56 =	vld [tilespmem:s14+$0x1870]  }
0x40: {  	v57 =	vld [tilespmem:s14+$0x1400]  }
0x41: {  	v58 =	vld [tilespmem:s14+$0x1410]  }
0x42: {  	v43 =	vld [tilespmem:s14+$0x1420]  }
0x43: {  	v16 =	vmax.f32 v16, v40;
	v17 =	vmin.f32 v17, v40;
	v37 =	vadd.f32 v37, v14;
	v59 =	vld [tilespmem:s14+$0x1430]  }
0x44: {  	v42 =	vmov s15;
	v32 =	vmax.f32 v32, v39;
	v35 =	vadd.f32 v35, v14;
	v61 =	vld [tilespmem:s14+$0x1440]  }
0x45: {  	v33 =	vmin.f32 v33, v39;
	v30 =	vmax.f32 v30, v37;
	v36 =	vadd.f32 v36, v14;
	v63 =	vld [tilespmem:s14+$0x1450]  }
0x46: {  	v31 =	vmin.f32 v31, v37;
	v28 =	vmax.f32 v28, v35;
	v34 =	vadd.f32 v34, v14;
	v45 =	vld [tilespmem:s14+$0x1460]  }
0x47: {  	v29 =	vmin.f32 v29, v35;
	v47 =	vld [tilespmem:s14+$0x1470];
	v27 =	vmax.f32 v27, v36;
	v38 =	vadd.f32 v38, v14  }
0x48: {  	v49 =	vld [tilespmem:s14+$0x1800];
	v24 =	vmin.f32 v24, v36;
	v25 =	vmax.f32 v25, v34;
	v15 =	vperm.xlane v15, v42  }
0x49: {  	v51 =	vld [tilespmem:s14+$0x1810];
	v60 =	vadd.f32 v41, v14;
	v62 =	vadd.f32 v55, v14;
	v26 =	vmax.f32 v26, v38  }
0x4a: {  	v53 =	vld [tilespmem:s14+$0x1820];
	v22 =	vmin.f32 v22, v38;
	v38 =	vadd.f32 v56, v15;
	v44 =	vadd.f32 v57, v15  }
0x4b: {  	v21 =	vmin.f32 v21, v34;
	v46 =	vadd.f32 v58, v15;
	v48 =	vadd.f32 v43, v15  }
0x4c: {  	v18 =	vmax.f32 v18, v60;
	v50 =	vadd.f32 v59, v15;
	v52 =	vadd.f32 v61, v15  }
0x4d: {  	v19 =	vmax.f32 v19, v62;
	v54 =	vadd.f32 v63, v15;
	v56 =	vadd.f32 v45, v15  }
0x4e: {  	v14 =	vmin.f32 v20, v62;
	v59 =	vadd.f32 v47, v15;
	v62 =	vadd.f32 v49, v15  }
0x4f: {  	v23 =	vmin.f32 v23, v60;
	v34 =	vadd.f32 v51, v15;
	v42 =	vadd.f32 v53, v15  }
0x50: {  	v8 =	vmax.f32 v8, v44;
	v9 =	vmin.f32 v9, v44;
	v10 =	vmax.f32 v10, v46  }
0x51: {  	s31 =	sshll.u32 s11, $0x8;
	v55 =	vld [tilespmem:s14+$0x1830];
	v11 =	vmin.f32 v11, v46;
	v12 =	vmax.f32 v12, v48;
	v13 =	vmin.f32 v13, v48  }
0x52: {  	s12 =	sand.u32 $0x380, s12;
	s13 =	sand.u32 $0x3800, s31;
	v60 =	vld [tilespmem:s14+$0x1860];
	v6 =	vmax.f32 v6, v50;
	v7 =	vmin.f32 v7, v50;
	v8 =	vsub.f32 v8, v9  }
0x53: {  	s12 =	sor.u32 s12, s13;
	v57 =	vld [tilespmem:s14+$0x1840];
	v4 =	vmax.f32 v4, v52;
	v5 =	vmin.f32 v5, v52;
	v10 =	vsub.f32 v10, v11  }
0x54: {  	v58 =	vld [tilespmem:s14+$0x1850];
	v2 =	vmax.f32 v2, v54;
	v3 =	vmin.f32 v3, v54;
	v63 =	vsub.f32 v12, v13;
	[tilespmem:s12+$0x5400] =	vst v8  }
0x55: {  	v16 =	vmax.f32 v16, v56;
	v61 =	vmin.f32 v17, v56;
	v6 =	vsub.f32 v6, v7;
	[tilespmem:s12+$0x5410] =	vst v10  }
0x56: {  	v32 =	vmax.f32 v32, v59;
	v36 =	vmax.f32 v30, v62;
	v4 =	vsub.f32 v4, v5;
	[tilespmem:s12+$0x5420] =	vst v63  }
0x57: {  	v40 =	vmin.f32 v31, v62;
	v43 =	vmax.f32 v28, v34;
	v2 =	vsub.f32 v2, v3;
	[tilespmem:s12+$0x5430] =	vst v6  }
0x58: {  	v44 =	vmin.f32 v29, v34;
	v46 =	vadd.f32 v55, v15;
	v45 =	vsub.f32 v16, v61;
	[tilespmem:s12+$0x5440] =	vst v4  }
0x59: {  	v47 =	vmax.f32 v27, v42;
	v0 =	vmax.f32 v0, v38;
	v50 =	vsub.f32 v36, v40;
	[tilespmem:s12+$0x5450] =	vst v2  }
0x5a: {  	v1 =	vmin.f32 v1, v38;
	v9 =	vmin.f32 v33, v59;
	v52 =	vsub.f32 v43, v44;
	[tilespmem:s12+$0x5460] =	vst v45  }
0x5b: {  	v0 =	vsub.f32 v0, v1;
	v48 =	vsub.f32 v32, v9;
	v51 =	vmax.f32 v25, v46;
	[tilespmem:s12+$0x5800] =	vst v50  }
0x5c: {  	v7 =	vmin.f32 v21, v46;
	v49 =	vadd.f32 v57, v15;
	v54 =	vadd.f32 v58, v15;
	[tilespmem:s12+$0x5810] =	vst v52  }
0x5d: {  	s11 =	sadd.s32 $0x1, s11;
	v8 =	vmin.f32 v24, v42;
	v57 =	vadd.f32 v60, v15;
	v58 =	vsub.f32 v51, v7;
	[tilespmem:s12+$0x5870] =	vst v0  }
0x5e: {  	p0 =	sne.s32 s11, $0x28;
	[tilespmem:s12+$0x5470] =	vst v48;
	v55 =	vsub.f32 v47, v8;
	v53 =	vmax.f32 v26, v49;
	v56 =	vmin.f32 v22, v49  }
.Ltmp1:
0x5f: {  	v59 =	vmax.f32 v18, v54;
	v6 =	vmin.f32 v23, v54;
	[tilespmem:s12+$0x5830] =	vst v58;
	v3 =	vsub.f32 v53, v56;
	(pc) =	sbr.rel @p0 .LBB2_2-.Ltmp1, $4  }
0x60: {  	v60 =	vmax.f32 v19, v57;
	v61 =	vmin.f32 v14, v57;
	[tilespmem:s12+$0x5820] =	vst v55;
	v62 =	vsub.f32 v59, v6  }
0x61: {  	v63 =	vsub.f32 v60, v61;
	[tilespmem:s12+$0x5840] =	vst v3  }
0x62: {  	[tilespmem:s12+$0x5850] =	vst v62  }
0x63: {  	[tilespmem:s12+$0x5860] =	vst v63  }
0x64: {  	s10 =	sadd.s32 $0x1, s10  }
0x65: {  	p0 =	sne.s32 s10, s6  }
.Ltmp2:
0x66: {  	_ = 	snop;
	(pc) =	sbr.rel @p0 .LBB2_1-.Ltmp2, $4  }
0x67: {  	[hbm4b:s5+s3] =	stream.linear.scatter [tilespmem:s9], [sflag:$0x1], $0x2800, $0x38;
	[tilespmem:$0x7C00] =	vst v63  }
0x68: {  	_ =	swait.ge [sflag:s7], $0x2800  }
0x69: {  	[sflag:s7] =	ssyncset.done $0x0  }
0x6a: {  	[sflag:s7] =	ssyncadd.s32 $0xFFFFD800  }
0x6b: {  	_ =	sfence.sel $0x180000  }
0x6c: {  	[bflag:$0x0] =	sbarrier.arrive $0xFFFF  }
0x6d: {  	p0 =	sne.s32 s0, $0x0;
	_ =	strace $0x90000047  }
0x6e: {  	s0 =	sadd.s32 @!p0 $0x100000, s1;
	[bflag:$0x2] =	sbarrier.arrive $0xFFFF  }
0x6f: {  	[sflag:s0] =	ssyncadd.tile.s32 @!p0 $0x1;
	_ =	shalt  }
.Lfunc_end2:
_tile_overlayer_lowered:
.L_overlay_start_2:
0x70: {  	(tag) =	ssettag $0x2  }
0x71: {  	s0 =	rddreg [dreg:$0x0];
	s2 =	stileid.u32  }
0x72: {  	s1 =	rddreg [dreg:$0x1];
	p0 =	sne.s32 s2, $0x0  }
0x73: {  	s3 =	rddreg [dreg:$0x2];
	[bflag:$0x3] =	sbarrier.arrive $0xFFFF;
	s2 =	simm.s32 @!p0 $0x1C01  }
0x74: {  	[timem:s3], [sflag:s2] =	dma.local @!p0 [hbm:s0], s1  }
0x75: {  	s0 =	simm.s32 @!p0 $0x1  }
0x76: {  	_ =	swait.ge @!p0 [sflag:s0], s1  }
0x77: {  	s1 =	ssub.s32 @!p0 $0x0, s1;
	[sflag:s0] =	ssyncset.done @!p0 $0x0  }
0x78: {  	[sflag:s0] =	ssyncadd.s32 @!p0 s1  }
0x79: {  	[bflag:$0x3] =	sbarrier.arrive $0xFFFF  }
0x7a: {  	_ =	shalt  }

</sc_bundles>
